<compile_context>
chip_gen: v7x
topology: tpu7x:2x2x1
jax: 0.10.2.dev20260603
libtpu: 0.0.44.dev20260713+nightly
codegen_flags: <defaults>
</compile_context>

<pallas_src>
import functools

import jax
import jax.numpy as jnp
from jax import lax
from jax.experimental import pallas as pl
from jax.experimental.pallas import tpu as pltpu
from jax.experimental.pallas import tpu_sc as plsc

BATCH = 16384
SEQ_LEN = 50
SEQ_PAD = 56
EMBED_DIM = 64
N = BATCH * SEQ_LEN
OUT_ROWS = BATCH * SEQ_PAD * 2

_info = plsc.get_sparse_core_info()
NUM_WORKERS = _info.num_cores * _info.num_subcores
PER_WORKER = N // NUM_WORKERS
CHUNK = 128
NUM_CHUNKS = PER_WORKER // CHUNK
NBUF = 8
NUM_GROUPS = NUM_CHUNKS // NBUF

_mesh = plsc.VectorSubcoreMesh(core_axis_name="c", subcore_axis_name="s")


@functools.partial(
    pl.kernel,
    mesh=_mesh,
    out_type=jax.ShapeDtypeStruct((OUT_ROWS, EMBED_DIM), jnp.float32),
    scratch_types=[
        pltpu.VMEM((NUM_CHUNKS, CHUNK), jnp.int32),
        pltpu.VMEM((NUM_CHUNKS, CHUNK), jnp.int32),
        pltpu.VMEM((NBUF, CHUNK, EMBED_DIM), jnp.float32),
        [pltpu.SemaphoreType.DMA] * NBUF,
        [pltpu.SemaphoreType.DMA] * NBUF,
    ],
    compiler_params=pltpu.CompilerParams(use_tc_tiling_on_sc=False),
)
def _gather_kernel(table_hbm, idx_hbm, pos_hbm, out_hbm, idx_v, pos_v, rows_v,
                   gsems, ssems):
    wid = lax.axis_index("s") * _info.num_cores + lax.axis_index("c")
    row_base = wid * NUM_CHUNKS
    pltpu.sync_copy(idx_hbm.at[pl.ds(row_base, NUM_CHUNKS)], idx_v)
    pltpu.sync_copy(pos_hbm.at[pl.ds(row_base, NUM_CHUNKS)], pos_v)

    def start_gather(nb, c):
        pltpu.async_copy(table_hbm.at[idx_v.at[c]], rows_v.at[nb], gsems[nb])

    def wait_gather(nb, c):
        pltpu.make_async_copy(
            table_hbm.at[idx_v.at[c]], rows_v.at[nb], gsems[nb]
        ).wait()

    def start_store(nb, c):
        pltpu.async_copy(rows_v.at[nb], out_hbm.at[pos_v.at[c]], ssems[nb])

    def wait_store(nb, c):
        pltpu.make_async_copy(
            rows_v.at[nb], out_hbm.at[pos_v.at[c]], ssems[nb]
        ).wait()

    for nb in range(NBUF):
        start_gather(nb, nb)

    def group_body(g, carry):
        for nb in range(NBUF):
            c = g * NBUF + nb
            wait_gather(nb, c)
            start_store(nb, c)
            cn = c + NBUF

            @pl.when(cn < NUM_CHUNKS)
            def _():
                wait_store(nb, c)
                start_gather(nb, cn)

        return carry

    lax.fori_loop(0, NUM_GROUPS, group_body, 0)

    for nb in range(NBUF):
        wait_store(nb, NUM_CHUNKS - NBUF + nb)


def kernel(indices, table):
    idx2 = indices.reshape(-1).astype(jnp.int32).reshape(N // CHUNK, CHUNK)
    flat = jnp.arange(N, dtype=jnp.int32)
    pos = 2 * (SEQ_PAD * (flat // SEQ_LEN) + flat % SEQ_LEN)
    pos2 = pos.reshape(N // CHUNK, CHUNK)
    out_flat = _gather_kernel(table, idx2, pos2)
    out_p = out_flat.reshape(BATCH, SEQ_PAD, 2 * EMBED_DIM)
    return out_p[:, :SEQ_LEN, :EMBED_DIM]

# --- scband reference (transcript-rebuilt; emitter-appended) ---
"""Pipeline reference for scband-navec-vectorizer-layer-53291954209148 (READ-ONLY COPY).

The authoritative reference and input builder live on the scoring server;
editing this copy changes nothing except your own understanding.
"""

import jax, jax.numpy as jnp
import numpy as np

VOCAB = 1000000
EMBED_DIM = 64
BATCH = 16384
SEQ_LEN = 50


def setup_inputs(seed: int = 0) -> dict:
    key = jax.random.key(seed)
    k_idx, k_tab = jax.random.split(key)
    # Tokenized texts: each sentence padded/truncated to SEQ_LEN word ids.
    # Out-of-vocab words map to the <unk> row (modeled as just another in-range id).
    indices = jax.random.randint(k_idx, (BATCH, SEQ_LEN), 0, VOCAB)
    # Navec-style pretrained word-embedding table (vocab x dim).
    table = jax.random.normal(k_tab, (VOCAB, EMBED_DIM), dtype=jnp.float32) * 0.02
    return {"indices": indices, "table": table}


def reference(indices, table):
    # NavecVectorizerLayer: per-word embedding lookup over padded sentences.
    # navec_word_vectorizer(word) for each word -> row gather from the table.
    # Output: [batch, pad_sentence_to_n_words, embed_dim]
    return jnp.take(table, indices, axis=0)

if __name__ == "__main__":
    import jax
    _d = setup_inputs()
    print(jax.jit(kernel)(*tuple(_d.values())))

</pallas_src>

<mosaic_0001>
#map = affine_map<(d0, d1) -> (0, 0)>
module attributes {stable_mosaic.version = 14 : i64} {
  func.func @_gather_kernel(%arg0: i32, %arg1: i32, %arg2: memref<1000000x64xf32, #tpu.memory_space<hbm>>, %arg3: memref<6400x128xi32, #tpu.memory_space<hbm>>, %arg4: memref<6400x128xi32, #tpu.memory_space<hbm>>, %arg5: memref<1835008x64xf32, #tpu.memory_space<hbm>>, %arg6: memref<200x128xi32, #tpu.memory_space<vmem>>, %arg7: memref<200x128xi32, #tpu.memory_space<vmem>>, %arg8: memref<8x128x64xf32, #tpu.memory_space<vmem>>, %arg9: memref<!tpu.dma_semaphore, #tpu.memory_space<semaphore_mem>>, %arg10: memref<!tpu.dma_semaphore, #tpu.memory_space<semaphore_mem>>, %arg11: memref<!tpu.dma_semaphore, #tpu.memory_space<semaphore_mem>>, %arg12: memref<!tpu.dma_semaphore, #tpu.memory_space<semaphore_mem>>, %arg13: memref<!tpu.dma_semaphore, #tpu.memory_space<semaphore_mem>>, %arg14: memref<!tpu.dma_semaphore, #tpu.memory_space<semaphore_mem>>, %arg15: memref<!tpu.dma_semaphore, #tpu.memory_space<semaphore_mem>>, %arg16: memref<!tpu.dma_semaphore, #tpu.memory_space<semaphore_mem>>, %arg17: memref<!tpu.dma_semaphore, #tpu.memory_space<semaphore_mem>>, %arg18: memref<!tpu.dma_semaphore, #tpu.memory_space<semaphore_mem>>, %arg19: memref<!tpu.dma_semaphore, #tpu.memory_space<semaphore_mem>>, %arg20: memref<!tpu.dma_semaphore, #tpu.memory_space<semaphore_mem>>, %arg21: memref<!tpu.dma_semaphore, #tpu.memory_space<semaphore_mem>>, %arg22: memref<!tpu.dma_semaphore, #tpu.memory_space<semaphore_mem>>, %arg23: memref<!tpu.dma_semaphore, #tpu.memory_space<semaphore_mem>>, %arg24: memref<!tpu.dma_semaphore, #tpu.memory_space<semaphore_mem>>) attributes {dimension_semantics = [#tpu.dimension_semantics<core_parallel>, #tpu.dimension_semantics<subcore_parallel>], iteration_bounds = array<i64: 2, 16>, scalar_prefetch = 0 : i64, scratch_operands = 19 : i64, tpu.core_type = #tpu.core_type<sc_vector_subcore>, window_params = [{transform_indices = #map}, {transform_indices = #map}, {transform_indices = #map}, {transform_indices = #map}]} {
    %mul3A = arith.constant 2 : i32
    %mul3A_0 = arith.muli %arg1, %mul3A : i32
    %add3A = arith.addi %mul3A_0, %arg0 : i32
    %mul3A_1 = arith.constant 200 : i32
    %mul3A_2 = arith.muli %add3A, %mul3A_1 : i32
    "tpu.region"() ({
      %run_scoped3A = tpu.sem_alloc : memref<!tpu.dma_semaphore, #tpu.memory_space<semaphore_mem>>
      %dma_start3A_198 = arith.constant 0 : i32
      %dma_start3A_199 = tpu.memref_slice %arg3[%mul3A_2, %dma_start3A_198] : memref<6400x128xi32, #tpu.memory_space<hbm>> -> memref<200x128xi32, #tpu.memory_space<hbm>>
      %dma_start3A_200 = arith.constant 0 : i32
      %dma_start3A_201 = tpu.memref_slice %arg3[%mul3A_2, %dma_start3A_200] : memref<6400x128xi32, #tpu.memory_space<hbm>> -> memref<200x128xi32, #tpu.memory_space<hbm>>
      tpu.enqueue_dma source(%dma_start3A_201 : memref<200x128xi32, #tpu.memory_space<hbm>>) target(%arg6 : memref<200x128xi32, #tpu.memory_space<vmem>>) target_semaphore(%run_scoped3A : memref<!tpu.dma_semaphore, #tpu.memory_space<semaphore_mem>>)
      %dma_wait3A_202 = arith.constant 0 : i32
      %dma_wait3A_203 = tpu.memref_slice %arg3[%mul3A_2, %dma_wait3A_202] : memref<6400x128xi32, #tpu.memory_space<hbm>> -> memref<200x128xi32, #tpu.memory_space<hbm>>
      %dma_wait3A_204 = arith.constant 0 : i32
      %dma_wait3A_205 = tpu.memref_slice %arg3[%mul3A_2, %dma_wait3A_204] : memref<6400x128xi32, #tpu.memory_space<hbm>> -> memref<200x128xi32, #tpu.memory_space<hbm>>
      tpu.wait_dma2 semaphore(%run_scoped3A : memref<!tpu.dma_semaphore, #tpu.memory_space<semaphore_mem>>) src(%dma_wait3A_205 : memref<200x128xi32, #tpu.memory_space<hbm>>) dst(%arg6 : memref<200x128xi32, #tpu.memory_space<vmem>>)
      tpu.yield
    }) : () -> ()
    "tpu.region"() ({
      %run_scoped3A = tpu.sem_alloc : memref<!tpu.dma_semaphore, #tpu.memory_space<semaphore_mem>>
      %dma_start3A_198 = arith.constant 0 : i32
      %dma_start3A_199 = tpu.memref_slice %arg4[%mul3A_2, %dma_start3A_198] : memref<6400x128xi32, #tpu.memory_space<hbm>> -> memref<200x128xi32, #tpu.memory_space<hbm>>
      %dma_start3A_200 = arith.constant 0 : i32
      %dma_start3A_201 = tpu.memref_slice %arg4[%mul3A_2, %dma_start3A_200] : memref<6400x128xi32, #tpu.memory_space<hbm>> -> memref<200x128xi32, #tpu.memory_space<hbm>>
      tpu.enqueue_dma source(%dma_start3A_201 : memref<200x128xi32, #tpu.memory_space<hbm>>) target(%arg7 : memref<200x128xi32, #tpu.memory_space<vmem>>) target_semaphore(%run_scoped3A : memref<!tpu.dma_semaphore, #tpu.memory_space<semaphore_mem>>)
      %dma_wait3A_202 = arith.constant 0 : i32
      %dma_wait3A_203 = tpu.memref_slice %arg4[%mul3A_2, %dma_wait3A_202] : memref<6400x128xi32, #tpu.memory_space<hbm>> -> memref<200x128xi32, #tpu.memory_space<hbm>>
      %dma_wait3A_204 = arith.constant 0 : i32
      %dma_wait3A_205 = tpu.memref_slice %arg4[%mul3A_2, %dma_wait3A_204] : memref<6400x128xi32, #tpu.memory_space<hbm>> -> memref<200x128xi32, #tpu.memory_space<hbm>>
      tpu.wait_dma2 semaphore(%run_scoped3A : memref<!tpu.dma_semaphore, #tpu.memory_space<semaphore_mem>>) src(%dma_wait3A_205 : memref<200x128xi32, #tpu.memory_space<hbm>>) dst(%arg7 : memref<200x128xi32, #tpu.memory_space<vmem>>)
      tpu.yield
    }) : () -> ()
    %dma_start3A = arith.constant 0 : i32
    %dma_start3A_3 = arith.constant 0 : i32
    %dma_start3A_4 = arith.constant 0 : i32
    %dma_start3A_5 = arith.constant 0 : i32
    %dma_start3A_6 = tpu.memref_slice %arg8[%dma_start3A_3, %dma_start3A_4, %dma_start3A_5] : memref<8x128x64xf32, #tpu.memory_space<vmem>> -> memref<1x128x64xf32, #tpu.memory_space<vmem>>
    %dma_start3A_7 = tpu.memref_squeeze %dma_start3A_6 : memref<1x128x64xf32, #tpu.memory_space<vmem>> -> memref<128x64xf32, #tpu.memory_space<vmem>>
    %dma_start3A_8 = arith.constant 0 : i32
    %dma_start3A_9 = tpu.memref_slice %arg6[%dma_start3A, %dma_start3A_8] : memref<200x128xi32, #tpu.memory_space<vmem>> -> memref<1x128xi32, #tpu.memory_space<vmem>>
    %dma_start3A_10 = tpu.memref_squeeze %dma_start3A_9 : memref<1x128xi32, #tpu.memory_space<vmem>> -> memref<128xi32, #tpu.memory_space<vmem>>
    %dma_start3A_11 = arith.constant 0 : i32
    %dma_start3A_12 = arith.constant 0 : i32
    %dma_start3A_13 = tpu.memref_slice %arg2[%dma_start3A_11, %dma_start3A_12] : memref<1000000x64xf32, #tpu.memory_space<hbm>> -> memref<1000000x64xf32, #tpu.memory_space<hbm>>
    tpu.enqueue_indirect_dma source(%dma_start3A_13 : memref<1000000x64xf32, #tpu.memory_space<hbm>>) target(%dma_start3A_7 : memref<128x64xf32, #tpu.memory_space<vmem>>) offsets(%dma_start3A_10 : memref<128xi32, #tpu.memory_space<vmem>>) semaphore(%arg9 : memref<!tpu.dma_semaphore, #tpu.memory_space<semaphore_mem>>)
    %dma_start3A_14 = arith.constant 1 : i32
    %dma_start3A_15 = arith.constant 1 : i32
    %dma_start3A_16 = arith.constant 0 : i32
    %dma_start3A_17 = arith.constant 0 : i32
    %dma_start3A_18 = tpu.memref_slice %arg8[%dma_start3A_15, %dma_start3A_16, %dma_start3A_17] : memref<8x128x64xf32, #tpu.memory_space<vmem>> -> memref<1x128x64xf32, #tpu.memory_space<vmem>>
    %dma_start3A_19 = tpu.memref_squeeze %dma_start3A_18 : memref<1x128x64xf32, #tpu.memory_space<vmem>> -> memref<128x64xf32, #tpu.memory_space<vmem>>
    %dma_start3A_20 = arith.constant 0 : i32
    %dma_start3A_21 = tpu.memref_slice %arg6[%dma_start3A_14, %dma_start3A_20] : memref<200x128xi32, #tpu.memory_space<vmem>> -> memref<1x128xi32, #tpu.memory_space<vmem>>
    %dma_start3A_22 = tpu.memref_squeeze %dma_start3A_21 : memref<1x128xi32, #tpu.memory_space<vmem>> -> memref<128xi32, #tpu.memory_space<vmem>>
    %dma_start3A_23 = arith.constant 0 : i32
    %dma_start3A_24 = arith.constant 0 : i32
    %dma_start3A_25 = tpu.memref_slice %arg2[%dma_start3A_23, %dma_start3A_24] : memref<1000000x64xf32, #tpu.memory_space<hbm>> -> memref<1000000x64xf32, #tpu.memory_space<hbm>>
    tpu.enqueue_indirect_dma source(%dma_start3A_25 : memref<1000000x64xf32, #tpu.memory_space<hbm>>) target(%dma_start3A_19 : memref<128x64xf32, #tpu.memory_space<vmem>>) offsets(%dma_start3A_22 : memref<128xi32, #tpu.memory_space<vmem>>) semaphore(%arg10 : memref<!tpu.dma_semaphore, #tpu.memory_space<semaphore_mem>>)
    %dma_start3A_26 = arith.constant 2 : i32
    %dma_start3A_27 = arith.constant 2 : i32
    %dma_start3A_28 = arith.constant 0 : i32
    %dma_start3A_29 = arith.constant 0 : i32
    %dma_start3A_30 = tpu.memref_slice %arg8[%dma_start3A_27, %dma_start3A_28, %dma_start3A_29] : memref<8x128x64xf32, #tpu.memory_space<vmem>> -> memref<1x128x64xf32, #tpu.memory_space<vmem>>
    %dma_start3A_31 = tpu.memref_squeeze %dma_start3A_30 : memref<1x128x64xf32, #tpu.memory_space<vmem>> -> memref<128x64xf32, #tpu.memory_space<vmem>>
    %dma_start3A_32 = arith.constant 0 : i32
    %dma_start3A_33 = tpu.memref_slice %arg6[%dma_start3A_26, %dma_start3A_32] : memref<200x128xi32, #tpu.memory_space<vmem>> -> memref<1x128xi32, #tpu.memory_space<vmem>>
    %dma_start3A_34 = tpu.memref_squeeze %dma_start3A_33 : memref<1x128xi32, #tpu.memory_space<vmem>> -> memref<128xi32, #tpu.memory_space<vmem>>
    %dma_start3A_35 = arith.constant 0 : i32
    %dma_start3A_36 = arith.constant 0 : i32
    %dma_start3A_37 = tpu.memref_slice %arg2[%dma_start3A_35, %dma_start3A_36] : memref<1000000x64xf32, #tpu.memory_space<hbm>> -> memref<1000000x64xf32, #tpu.memory_space<hbm>>
    tpu.enqueue_indirect_dma source(%dma_start3A_37 : memref<1000000x64xf32, #tpu.memory_space<hbm>>) target(%dma_start3A_31 : memref<128x64xf32, #tpu.memory_space<vmem>>) offsets(%dma_start3A_34 : memref<128xi32, #tpu.memory_space<vmem>>) semaphore(%arg11 : memref<!tpu.dma_semaphore, #tpu.memory_space<semaphore_mem>>)
    %dma_start3A_38 = arith.constant 3 : i32
    %dma_start3A_39 = arith.constant 3 : i32
    %dma_start3A_40 = arith.constant 0 : i32
    %dma_start3A_41 = arith.constant 0 : i32
    %dma_start3A_42 = tpu.memref_slice %arg8[%dma_start3A_39, %dma_start3A_40, %dma_start3A_41] : memref<8x128x64xf32, #tpu.memory_space<vmem>> -> memref<1x128x64xf32, #tpu.memory_space<vmem>>
    %dma_start3A_43 = tpu.memref_squeeze %dma_start3A_42 : memref<1x128x64xf32, #tpu.memory_space<vmem>> -> memref<128x64xf32, #tpu.memory_space<vmem>>
    %dma_start3A_44 = arith.constant 0 : i32
    %dma_start3A_45 = tpu.memref_slice %arg6[%dma_start3A_38, %dma_start3A_44] : memref<200x128xi32, #tpu.memory_space<vmem>> -> memref<1x128xi32, #tpu.memory_space<vmem>>
    %dma_start3A_46 = tpu.memref_squeeze %dma_start3A_45 : memref<1x128xi32, #tpu.memory_space<vmem>> -> memref<128xi32, #tpu.memory_space<vmem>>
    %dma_start3A_47 = arith.constant 0 : i32
    %dma_start3A_48 = arith.constant 0 : i32
    %dma_start3A_49 = tpu.memref_slice %arg2[%dma_start3A_47, %dma_start3A_48] : memref<1000000x64xf32, #tpu.memory_space<hbm>> -> memref<1000000x64xf32, #tpu.memory_space<hbm>>
    tpu.enqueue_indirect_dma source(%dma_start3A_49 : memref<1000000x64xf32, #tpu.memory_space<hbm>>) target(%dma_start3A_43 : memref<128x64xf32, #tpu.memory_space<vmem>>) offsets(%dma_start3A_46 : memref<128xi32, #tpu.memory_space<vmem>>) semaphore(%arg12 : memref<!tpu.dma_semaphore, #tpu.memory_space<semaphore_mem>>)
    %dma_start3A_50 = arith.constant 4 : i32
    %dma_start3A_51 = arith.constant 4 : i32
    %dma_start3A_52 = arith.constant 0 : i32
    %dma_start3A_53 = arith.constant 0 : i32
    %dma_start3A_54 = tpu.memref_slice %arg8[%dma_start3A_51, %dma_start3A_52, %dma_start3A_53] : memref<8x128x64xf32, #tpu.memory_space<vmem>> -> memref<1x128x64xf32, #tpu.memory_space<vmem>>
    %dma_start3A_55 = tpu.memref_squeeze %dma_start3A_54 : memref<1x128x64xf32, #tpu.memory_space<vmem>> -> memref<128x64xf32, #tpu.memory_space<vmem>>
    %dma_start3A_56 = arith.constant 0 : i32
    %dma_start3A_57 = tpu.memref_slice %arg6[%dma_start3A_50, %dma_start3A_56] : memref<200x128xi32, #tpu.memory_space<vmem>> -> memref<1x128xi32, #tpu.memory_space<vmem>>
    %dma_start3A_58 = tpu.memref_squeeze %dma_start3A_57 : memref<1x128xi32, #tpu.memory_space<vmem>> -> memref<128xi32, #tpu.memory_space<vmem>>
    %dma_start3A_59 = arith.constant 0 : i32
    %dma_start3A_60 = arith.constant 0 : i32
    %dma_start3A_61 = tpu.memref_slice %arg2[%dma_start3A_59, %dma_start3A_60] : memref<1000000x64xf32, #tpu.memory_space<hbm>> -> memref<1000000x64xf32, #tpu.memory_space<hbm>>
    tpu.enqueue_indirect_dma source(%dma_start3A_61 : memref<1000000x64xf32, #tpu.memory_space<hbm>>) target(%dma_start3A_55 : memref<128x64xf32, #tpu.memory_space<vmem>>) offsets(%dma_start3A_58 : memref<128xi32, #tpu.memory_space<vmem>>) semaphore(%arg13 : memref<!tpu.dma_semaphore, #tpu.memory_space<semaphore_mem>>)
    %dma_start3A_62 = arith.constant 5 : i32
    %dma_start3A_63 = arith.constant 5 : i32
    %dma_start3A_64 = arith.constant 0 : i32
    %dma_start3A_65 = arith.constant 0 : i32
    %dma_start3A_66 = tpu.memref_slice %arg8[%dma_start3A_63, %dma_start3A_64, %dma_start3A_65] : memref<8x128x64xf32, #tpu.memory_space<vmem>> -> memref<1x128x64xf32, #tpu.memory_space<vmem>>
    %dma_start3A_67 = tpu.memref_squeeze %dma_start3A_66 : memref<1x128x64xf32, #tpu.memory_space<vmem>> -> memref<128x64xf32, #tpu.memory_space<vmem>>
    %dma_start3A_68 = arith.constant 0 : i32
    %dma_start3A_69 = tpu.memref_slice %arg6[%dma_start3A_62, %dma_start3A_68] : memref<200x128xi32, #tpu.memory_space<vmem>> -> memref<1x128xi32, #tpu.memory_space<vmem>>
    %dma_start3A_70 = tpu.memref_squeeze %dma_start3A_69 : memref<1x128xi32, #tpu.memory_space<vmem>> -> memref<128xi32, #tpu.memory_space<vmem>>
    %dma_start3A_71 = arith.constant 0 : i32
    %dma_start3A_72 = arith.constant 0 : i32
    %dma_start3A_73 = tpu.memref_slice %arg2[%dma_start3A_71, %dma_start3A_72] : memref<1000000x64xf32, #tpu.memory_space<hbm>> -> memref<1000000x64xf32, #tpu.memory_space<hbm>>
    tpu.enqueue_indirect_dma source(%dma_start3A_73 : memref<1000000x64xf32, #tpu.memory_space<hbm>>) target(%dma_start3A_67 : memref<128x64xf32, #tpu.memory_space<vmem>>) offsets(%dma_start3A_70 : memref<128xi32, #tpu.memory_space<vmem>>) semaphore(%arg14 : memref<!tpu.dma_semaphore, #tpu.memory_space<semaphore_mem>>)
    %dma_start3A_74 = arith.constant 6 : i32
    %dma_start3A_75 = arith.constant 6 : i32
    %dma_start3A_76 = arith.constant 0 : i32
    %dma_start3A_77 = arith.constant 0 : i32
    %dma_start3A_78 = tpu.memref_slice %arg8[%dma_start3A_75, %dma_start3A_76, %dma_start3A_77] : memref<8x128x64xf32, #tpu.memory_space<vmem>> -> memref<1x128x64xf32, #tpu.memory_space<vmem>>
    %dma_start3A_79 = tpu.memref_squeeze %dma_start3A_78 : memref<1x128x64xf32, #tpu.memory_space<vmem>> -> memref<128x64xf32, #tpu.memory_space<vmem>>
    %dma_start3A_80 = arith.constant 0 : i32
    %dma_start3A_81 = tpu.memref_slice %arg6[%dma_start3A_74, %dma_start3A_80] : memref<200x128xi32, #tpu.memory_space<vmem>> -> memref<1x128xi32, #tpu.memory_space<vmem>>
    %dma_start3A_82 = tpu.memref_squeeze %dma_start3A_81 : memref<1x128xi32, #tpu.memory_space<vmem>> -> memref<128xi32, #tpu.memory_space<vmem>>
    %dma_start3A_83 = arith.constant 0 : i32
    %dma_start3A_84 = arith.constant 0 : i32
    %dma_start3A_85 = tpu.memref_slice %arg2[%dma_start3A_83, %dma_start3A_84] : memref<1000000x64xf32, #tpu.memory_space<hbm>> -> memref<1000000x64xf32, #tpu.memory_space<hbm>>
    tpu.enqueue_indirect_dma source(%dma_start3A_85 : memref<1000000x64xf32, #tpu.memory_space<hbm>>) target(%dma_start3A_79 : memref<128x64xf32, #tpu.memory_space<vmem>>) offsets(%dma_start3A_82 : memref<128xi32, #tpu.memory_space<vmem>>) semaphore(%arg15 : memref<!tpu.dma_semaphore, #tpu.memory_space<semaphore_mem>>)
    %dma_start3A_86 = arith.constant 7 : i32
    %dma_start3A_87 = arith.constant 7 : i32
    %dma_start3A_88 = arith.constant 0 : i32
    %dma_start3A_89 = arith.constant 0 : i32
    %dma_start3A_90 = tpu.memref_slice %arg8[%dma_start3A_87, %dma_start3A_88, %dma_start3A_89] : memref<8x128x64xf32, #tpu.memory_space<vmem>> -> memref<1x128x64xf32, #tpu.memory_space<vmem>>
    %dma_start3A_91 = tpu.memref_squeeze %dma_start3A_90 : memref<1x128x64xf32, #tpu.memory_space<vmem>> -> memref<128x64xf32, #tpu.memory_space<vmem>>
    %dma_start3A_92 = arith.constant 0 : i32
    %dma_start3A_93 = tpu.memref_slice %arg6[%dma_start3A_86, %dma_start3A_92] : memref<200x128xi32, #tpu.memory_space<vmem>> -> memref<1x128xi32, #tpu.memory_space<vmem>>
    %dma_start3A_94 = tpu.memref_squeeze %dma_start3A_93 : memref<1x128xi32, #tpu.memory_space<vmem>> -> memref<128xi32, #tpu.memory_space<vmem>>
    %dma_start3A_95 = arith.constant 0 : i32
    %dma_start3A_96 = arith.constant 0 : i32
    %dma_start3A_97 = tpu.memref_slice %arg2[%dma_start3A_95, %dma_start3A_96] : memref<1000000x64xf32, #tpu.memory_space<hbm>> -> memref<1000000x64xf32, #tpu.memory_space<hbm>>
    tpu.enqueue_indirect_dma source(%dma_start3A_97 : memref<1000000x64xf32, #tpu.memory_space<hbm>>) target(%dma_start3A_91 : memref<128x64xf32, #tpu.memory_space<vmem>>) offsets(%dma_start3A_94 : memref<128xi32, #tpu.memory_space<vmem>>) semaphore(%arg16 : memref<!tpu.dma_semaphore, #tpu.memory_space<semaphore_mem>>)
    %scan3A = arith.constant 0 : i32
    %scan3A_98 = arith.constant 0 : i32
    %scan3A_99 = arith.constant 25 : i32
    %scan3A_100 = arith.addi %scan3A_98, %scan3A_99 : i32
    %scan3A_101 = arith.constant 1 : i32
    scf.for %scan3A_198 = %scan3A_98 to %scan3A_100 step %scan3A_101  : i32 {
      %mul3A_199 = arith.constant 8 : i32
      %mul3A_200 = arith.muli %scan3A_198, %mul3A_199 : i32
      %add3A_201 = arith.constant 0 : i32
      %add3A_202 = arith.addi %mul3A_200, %add3A_201 : i32
      %dma_wait3A_203 = arith.constant 0 : i32
      %dma_wait3A_204 = arith.constant 0 : i32
      %dma_wait3A_205 = arith.constant 0 : i32
      %dma_wait3A_206 = tpu.memref_slice %arg8[%dma_wait3A_203, %dma_wait3A_204, %dma_wait3A_205] : memref<8x128x64xf32, #tpu.memory_space<vmem>> -> memref<1x128x64xf32, #tpu.memory_space<vmem>>
      %dma_wait3A_207 = tpu.memref_squeeze %dma_wait3A_206 : memref<1x128x64xf32, #tpu.memory_space<vmem>> -> memref<128x64xf32, #tpu.memory_space<vmem>>
      %dma_wait3A_208 = arith.constant 0 : i32
      %dma_wait3A_209 = tpu.memref_slice %arg6[%add3A_202, %dma_wait3A_208] : memref<200x128xi32, #tpu.memory_space<vmem>> -> memref<1x128xi32, #tpu.memory_space<vmem>>
      %dma_wait3A_210 = tpu.memref_squeeze %dma_wait3A_209 : memref<1x128xi32, #tpu.memory_space<vmem>> -> memref<128xi32, #tpu.memory_space<vmem>>
      %dma_wait3A_211 = arith.constant 0 : i32
      %dma_wait3A_212 = arith.constant 0 : i32
      %dma_wait3A_213 = tpu.memref_slice %arg2[%dma_wait3A_211, %dma_wait3A_212] : memref<1000000x64xf32, #tpu.memory_space<hbm>> -> memref<1000000x64xf32, #tpu.memory_space<hbm>>
      tpu.wait_indirect_dma semaphore(%arg9 : memref<!tpu.dma_semaphore, #tpu.memory_space<semaphore_mem>>) src(%dma_wait3A_213 : memref<1000000x64xf32, #tpu.memory_space<hbm>>) dst(%dma_wait3A_207 : memref<128x64xf32, #tpu.memory_space<vmem>>)
      %dma_start3A_214 = arith.constant 0 : i32
      %dma_start3A_215 = arith.constant 0 : i32
      %dma_start3A_216 = arith.constant 0 : i32
      %dma_start3A_217 = tpu.memref_slice %arg8[%dma_start3A_214, %dma_start3A_215, %dma_start3A_216] : memref<8x128x64xf32, #tpu.memory_space<vmem>> -> memref<1x128x64xf32, #tpu.memory_space<vmem>>
      %dma_start3A_218 = tpu.memref_squeeze %dma_start3A_217 : memref<1x128x64xf32, #tpu.memory_space<vmem>> -> memref<128x64xf32, #tpu.memory_space<vmem>>
      %dma_start3A_219 = arith.constant 0 : i32
      %dma_start3A_220 = tpu.memref_slice %arg7[%add3A_202, %dma_start3A_219] : memref<200x128xi32, #tpu.memory_space<vmem>> -> memref<1x128xi32, #tpu.memory_space<vmem>>
      %dma_start3A_221 = tpu.memref_squeeze %dma_start3A_220 : memref<1x128xi32, #tpu.memory_space<vmem>> -> memref<128xi32, #tpu.memory_space<vmem>>
      %dma_start3A_222 = arith.constant 0 : i32
      %dma_start3A_223 = arith.constant 0 : i32
      %dma_start3A_224 = tpu.memref_slice %arg5[%dma_start3A_222, %dma_start3A_223] : memref<1835008x64xf32, #tpu.memory_space<hbm>> -> memref<1835008x64xf32, #tpu.memory_space<hbm>>
      tpu.enqueue_indirect_dma source(%dma_start3A_218 : memref<128x64xf32, #tpu.memory_space<vmem>>) target(%dma_start3A_224 : memref<1835008x64xf32, #tpu.memory_space<hbm>>) offsets(%dma_start3A_221 : memref<128xi32, #tpu.memory_space<vmem>>) semaphore(%arg17 : memref<!tpu.dma_semaphore, #tpu.memory_space<semaphore_mem>>)
      %add3A_225 = arith.constant 8 : i32
      %add3A_226 = arith.addi %add3A_202, %add3A_225 : i32
      %lt3A = arith.constant 200 : i32
      %lt3A_227 = arith.cmpi slt, %add3A_226, %lt3A : i32
      %convert_element_type3A = arith.extui %lt3A_227 : i1 to i32
      %cond3A = arith.constant 0 : i32
      %cond3A_228 = arith.cmpi ne, %convert_element_type3A, %cond3A : i32
      scf.if %cond3A_228 {
        %dma_wait3A_460 = arith.constant 0 : i32
        %dma_wait3A_461 = arith.constant 0 : i32
        %dma_wait3A_462 = arith.constant 0 : i32
        %dma_wait3A_463 = tpu.memref_slice %arg8[%dma_wait3A_460, %dma_wait3A_461, %dma_wait3A_462] : memref<8x128x64xf32, #tpu.memory_space<vmem>> -> memref<1x128x64xf32, #tpu.memory_space<vmem>>
        %dma_wait3A_464 = tpu.memref_squeeze %dma_wait3A_463 : memref<1x128x64xf32, #tpu.memory_space<vmem>> -> memref<128x64xf32, #tpu.memory_space<vmem>>
        %dma_wait3A_465 = arith.constant 0 : i32
        %dma_wait3A_466 = tpu.memref_slice %arg7[%add3A_202, %dma_wait3A_465] : memref<200x128xi32, #tpu.memory_space<vmem>> -> memref<1x128xi32, #tpu.memory_space<vmem>>
        %dma_wait3A_467 = tpu.memref_squeeze %dma_wait3A_466 : memref<1x128xi32, #tpu.memory_space<vmem>> -> memref<128xi32, #tpu.memory_space<vmem>>
        %dma_wait3A_468 = arith.constant 0 : i32
        %dma_wait3A_469 = arith.constant 0 : i32
        %dma_wait3A_470 = tpu.memref_slice %arg5[%dma_wait3A_468, %dma_wait3A_469] : memref<1835008x64xf32, #tpu.memory_space<hbm>> -> memref<1835008x64xf32, #tpu.memory_space<hbm>>
        tpu.wait_indirect_dma semaphore(%arg17 : memref<!tpu.dma_semaphore, #tpu.memory_space<semaphore_mem>>) src(%dma_wait3A_464 : memref<128x64xf32, #tpu.memory_space<vmem>>) dst(%dma_wait3A_470 : memref<1835008x64xf32, #tpu.memory_space<hbm>>)
        %dma_start3A_471 = arith.constant 0 : i32
        %dma_start3A_472 = arith.constant 0 : i32
        %dma_start3A_473 = arith.constant 0 : i32
        %dma_start3A_474 = tpu.memref_slice %arg8[%dma_start3A_471, %dma_start3A_472, %dma_start3A_473] : memref<8x128x64xf32, #tpu.memory_space<vmem>> -> memref<1x128x64xf32, #tpu.memory_space<vmem>>
        %dma_start3A_475 = tpu.memref_squeeze %dma_start3A_474 : memref<1x128x64xf32, #tpu.memory_space<vmem>> -> memref<128x64xf32, #tpu.memory_space<vmem>>
        %dma_start3A_476 = arith.constant 0 : i32
        %dma_start3A_477 = tpu.memref_slice %arg6[%add3A_226, %dma_start3A_476] : memref<200x128xi32, #tpu.memory_space<vmem>> -> memref<1x128xi32, #tpu.memory_space<vmem>>
        %dma_start3A_478 = tpu.memref_squeeze %dma_start3A_477 : memref<1x128xi32, #tpu.memory_space<vmem>> -> memref<128xi32, #tpu.memory_space<vmem>>
        %dma_start3A_479 = arith.constant 0 : i32
        %dma_start3A_480 = arith.constant 0 : i32
        %dma_start3A_481 = tpu.memref_slice %arg2[%dma_start3A_479, %dma_start3A_480] : memref<1000000x64xf32, #tpu.memory_space<hbm>> -> memref<1000000x64xf32, #tpu.memory_space<hbm>>
        tpu.enqueue_indirect_dma source(%dma_start3A_481 : memref<1000000x64xf32, #tpu.memory_space<hbm>>) target(%dma_start3A_475 : memref<128x64xf32, #tpu.memory_space<vmem>>) offsets(%dma_start3A_478 : memref<128xi32, #tpu.memory_space<vmem>>) semaphore(%arg9 : memref<!tpu.dma_semaphore, #tpu.memory_space<semaphore_mem>>)
      } else {
      }
      %mul3A_229 = arith.constant 8 : i32
      %mul3A_230 = arith.muli %scan3A_198, %mul3A_229 : i32
      %add3A_231 = arith.constant 1 : i32
      %add3A_232 = arith.addi %mul3A_230, %add3A_231 : i32
      %dma_wait3A_233 = arith.constant 1 : i32
      %dma_wait3A_234 = arith.constant 0 : i32
      %dma_wait3A_235 = arith.constant 0 : i32
      %dma_wait3A_236 = tpu.memref_slice %arg8[%dma_wait3A_233, %dma_wait3A_234, %dma_wait3A_235] : memref<8x128x64xf32, #tpu.memory_space<vmem>> -> memref<1x128x64xf32, #tpu.memory_space<vmem>>
      %dma_wait3A_237 = tpu.memref_squeeze %dma_wait3A_236 : memref<1x128x64xf32, #tpu.memory_space<vmem>> -> memref<128x64xf32, #tpu.memory_space<vmem>>
      %dma_wait3A_238 = arith.constant 0 : i32
      %dma_wait3A_239 = tpu.memref_slice %arg6[%add3A_232, %dma_wait3A_238] : memref<200x128xi32, #tpu.memory_space<vmem>> -> memref<1x128xi32, #tpu.memory_space<vmem>>
      %dma_wait3A_240 = tpu.memref_squeeze %dma_wait3A_239 : memref<1x128xi32, #tpu.memory_space<vmem>> -> memref<128xi32, #tpu.memory_space<vmem>>
      %dma_wait3A_241 = arith.constant 0 : i32
      %dma_wait3A_242 = arith.constant 0 : i32
      %dma_wait3A_243 = tpu.memref_slice %arg2[%dma_wait3A_241, %dma_wait3A_242] : memref<1000000x64xf32, #tpu.memory_space<hbm>> -> memref<1000000x64xf32, #tpu.memory_space<hbm>>
      tpu.wait_indirect_dma semaphore(%arg10 : memref<!tpu.dma_semaphore, #tpu.memory_space<semaphore_mem>>) src(%dma_wait3A_243 : memref<1000000x64xf32, #tpu.memory_space<hbm>>) dst(%dma_wait3A_237 : memref<128x64xf32, #tpu.memory_space<vmem>>)
      %dma_start3A_244 = arith.constant 1 : i32
      %dma_start3A_245 = arith.constant 0 : i32
      %dma_start3A_246 = arith.constant 0 : i32
      %dma_start3A_247 = tpu.memref_slice %arg8[%dma_start3A_244, %dma_start3A_245, %dma_start3A_246] : memref<8x128x64xf32, #tpu.memory_space<vmem>> -> memref<1x128x64xf32, #tpu.memory_space<vmem>>
      %dma_start3A_248 = tpu.memref_squeeze %dma_start3A_247 : memref<1x128x64xf32, #tpu.memory_space<vmem>> -> memref<128x64xf32, #tpu.memory_space<vmem>>
      %dma_start3A_249 = arith.constant 0 : i32
      %dma_start3A_250 = tpu.memref_slice %arg7[%add3A_232, %dma_start3A_249] : memref<200x128xi32, #tpu.memory_space<vmem>> -> memref<1x128xi32, #tpu.memory_space<vmem>>
      %dma_start3A_251 = tpu.memref_squeeze %dma_start3A_250 : memref<1x128xi32, #tpu.memory_space<vmem>> -> memref<128xi32, #tpu.memory_space<vmem>>
      %dma_start3A_252 = arith.constant 0 : i32
      %dma_start3A_253 = arith.constant 0 : i32
      %dma_start3A_254 = tpu.memref_slice %arg5[%dma_start3A_252, %dma_start3A_253] : memref<1835008x64xf32, #tpu.memory_space<hbm>> -> memref<1835008x64xf32, #tpu.memory_space<hbm>>
      tpu.enqueue_indirect_dma source(%dma_start3A_248 : memref<128x64xf32, #tpu.memory_space<vmem>>) target(%dma_start3A_254 : memref<1835008x64xf32, #tpu.memory_space<hbm>>) offsets(%dma_start3A_251 : memref<128xi32, #tpu.memory_space<vmem>>) semaphore(%arg18 : memref<!tpu.dma_semaphore, #tpu.memory_space<semaphore_mem>>)
      %add3A_255 = arith.constant 8 : i32
      %add3A_256 = arith.addi %add3A_232, %add3A_255 : i32
      %lt3A_257 = arith.constant 200 : i32
      %lt3A_258 = arith.cmpi slt, %add3A_256, %lt3A_257 : i32
      %convert_element_type3A_259 = arith.extui %lt3A_258 : i1 to i32
      %cond3A_260 = arith.constant 0 : i32
      %cond3A_261 = arith.cmpi ne, %convert_element_type3A_259, %cond3A_260 : i32
      scf.if %cond3A_261 {
        %dma_wait3A_460 = arith.constant 1 : i32
        %dma_wait3A_461 = arith.constant 0 : i32
        %dma_wait3A_462 = arith.constant 0 : i32
        %dma_wait3A_463 = tpu.memref_slice %arg8[%dma_wait3A_460, %dma_wait3A_461, %dma_wait3A_462] : memref<8x128x64xf32, #tpu.memory_space<vmem>> -> memref<1x128x64xf32, #tpu.memory_space<vmem>>
        %dma_wait3A_464 = tpu.memref_squeeze %dma_wait3A_463 : memref<1x128x64xf32, #tpu.memory_space<vmem>> -> memref<128x64xf32, #tpu.memory_space<vmem>>
        %dma_wait3A_465 = arith.constant 0 : i32
        %dma_wait3A_466 = tpu.memref_slice %arg7[%add3A_232, %dma_wait3A_465] : memref<200x128xi32, #tpu.memory_space<vmem>> -> memref<1x128xi32, #tpu.memory_space<vmem>>
        %dma_wait3A_467 = tpu.memref_squeeze %dma_wait3A_466 : memref<1x128xi32, #tpu.memory_space<vmem>> -> memref<128xi32, #tpu.memory_space<vmem>>
        %dma_wait3A_468 = arith.constant 0 : i32
        %dma_wait3A_469 = arith.constant 0 : i32
        %dma_wait3A_470 = tpu.memref_slice %arg5[%dma_wait3A_468, %dma_wait3A_469] : memref<1835008x64xf32, #tpu.memory_space<hbm>> -> memref<1835008x64xf32, #tpu.memory_space<hbm>>
        tpu.wait_indirect_dma semaphore(%arg18 : memref<!tpu.dma_semaphore, #tpu.memory_space<semaphore_mem>>) src(%dma_wait3A_464 : memref<128x64xf32, #tpu.memory_space<vmem>>) dst(%dma_wait3A_470 : memref<1835008x64xf32, #tpu.memory_space<hbm>>)
        %dma_start3A_471 = arith.constant 1 : i32
        %dma_start3A_472 = arith.constant 0 : i32
        %dma_start3A_473 = arith.constant 0 : i32
        %dma_start3A_474 = tpu.memref_slice %arg8[%dma_start3A_471, %dma_start3A_472, %dma_start3A_473] : memref<8x128x64xf32, #tpu.memory_space<vmem>> -> memref<1x128x64xf32, #tpu.memory_space<vmem>>
        %dma_start3A_475 = tpu.memref_squeeze %dma_start3A_474 : memref<1x128x64xf32, #tpu.memory_space<vmem>> -> memref<128x64xf32, #tpu.memory_space<vmem>>
        %dma_start3A_476 = arith.constant 0 : i32
        %dma_start3A_477 = tpu.memref_slice %arg6[%add3A_256, %dma_start3A_476] : memref<200x128xi32, #tpu.memory_space<vmem>> -> memref<1x128xi32, #tpu.memory_space<vmem>>
        %dma_start3A_478 = tpu.memref_squeeze %dma_start3A_477 : memref<1x128xi32, #tpu.memory_space<vmem>> -> memref<128xi32, #tpu.memory_space<vmem>>
        %dma_start3A_479 = arith.constant 0 : i32
        %dma_start3A_480 = arith.constant 0 : i32
        %dma_start3A_481 = tpu.memref_slice %arg2[%dma_start3A_479, %dma_start3A_480] : memref<1000000x64xf32, #tpu.memory_space<hbm>> -> memref<1000000x64xf32, #tpu.memory_space<hbm>>
        tpu.enqueue_indirect_dma source(%dma_start3A_481 : memref<1000000x64xf32, #tpu.memory_space<hbm>>) target(%dma_start3A_475 : memref<128x64xf32, #tpu.memory_space<vmem>>) offsets(%dma_start3A_478 : memref<128xi32, #tpu.memory_space<vmem>>) semaphore(%arg10 : memref<!tpu.dma_semaphore, #tpu.memory_space<semaphore_mem>>)
      } else {
      }
      %mul3A_262 = arith.constant 8 : i32
      %mul3A_263 = arith.muli %scan3A_198, %mul3A_262 : i32
      %add3A_264 = arith.constant 2 : i32
      %add3A_265 = arith.addi %mul3A_263, %add3A_264 : i32
      %dma_wait3A_266 = arith.constant 2 : i32
      %dma_wait3A_267 = arith.constant 0 : i32
      %dma_wait3A_268 = arith.constant 0 : i32
      %dma_wait3A_269 = tpu.memref_slice %arg8[%dma_wait3A_266, %dma_wait3A_267, %dma_wait3A_268] : memref<8x128x64xf32, #tpu.memory_space<vmem>> -> memref<1x128x64xf32, #tpu.memory_space<vmem>>
      %dma_wait3A_270 = tpu.memref_squeeze %dma_wait3A_269 : memref<1x128x64xf32, #tpu.memory_space<vmem>> -> memref<128x64xf32, #tpu.memory_space<vmem>>
      %dma_wait3A_271 = arith.constant 0 : i32
      %dma_wait3A_272 = tpu.memref_slice %arg6[%add3A_265, %dma_wait3A_271] : memref<200x128xi32, #tpu.memory_space<vmem>> -> memref<1x128xi32, #tpu.memory_space<vmem>>
      %dma_wait3A_273 = tpu.memref_squeeze %dma_wait3A_272 : memref<1x128xi32, #tpu.memory_space<vmem>> -> memref<128xi32, #tpu.memory_space<vmem>>
      %dma_wait3A_274 = arith.constant 0 : i32
      %dma_wait3A_275 = arith.constant 0 : i32
      %dma_wait3A_276 = tpu.memref_slice %arg2[%dma_wait3A_274, %dma_wait3A_275] : memref<1000000x64xf32, #tpu.memory_space<hbm>> -> memref<1000000x64xf32, #tpu.memory_space<hbm>>
      tpu.wait_indirect_dma semaphore(%arg11 : memref<!tpu.dma_semaphore, #tpu.memory_space<semaphore_mem>>) src(%dma_wait3A_276 : memref<1000000x64xf32, #tpu.memory_space<hbm>>) dst(%dma_wait3A_270 : memref<128x64xf32, #tpu.memory_space<vmem>>)
      %dma_start3A_277 = arith.constant 2 : i32
      %dma_start3A_278 = arith.constant 0 : i32
      %dma_start3A_279 = arith.constant 0 : i32
      %dma_start3A_280 = tpu.memref_slice %arg8[%dma_start3A_277, %dma_start3A_278, %dma_start3A_279] : memref<8x128x64xf32, #tpu.memory_space<vmem>> -> memref<1x128x64xf32, #tpu.memory_space<vmem>>
      %dma_start3A_281 = tpu.memref_squeeze %dma_start3A_280 : memref<1x128x64xf32, #tpu.memory_space<vmem>> -> memref<128x64xf32, #tpu.memory_space<vmem>>
      %dma_start3A_282 = arith.constant 0 : i32
      %dma_start3A_283 = tpu.memref_slice %arg7[%add3A_265, %dma_start3A_282] : memref<200x128xi32, #tpu.memory_space<vmem>> -> memref<1x128xi32, #tpu.memory_space<vmem>>
      %dma_start3A_284 = tpu.memref_squeeze %dma_start3A_283 : memref<1x128xi32, #tpu.memory_space<vmem>> -> memref<128xi32, #tpu.memory_space<vmem>>
      %dma_start3A_285 = arith.constant 0 : i32
      %dma_start3A_286 = arith.constant 0 : i32
      %dma_start3A_287 = tpu.memref_slice %arg5[%dma_start3A_285, %dma_start3A_286] : memref<1835008x64xf32, #tpu.memory_space<hbm>> -> memref<1835008x64xf32, #tpu.memory_space<hbm>>
      tpu.enqueue_indirect_dma source(%dma_start3A_281 : memref<128x64xf32, #tpu.memory_space<vmem>>) target(%dma_start3A_287 : memref<1835008x64xf32, #tpu.memory_space<hbm>>) offsets(%dma_start3A_284 : memref<128xi32, #tpu.memory_space<vmem>>) semaphore(%arg19 : memref<!tpu.dma_semaphore, #tpu.memory_space<semaphore_mem>>)
      %add3A_288 = arith.constant 8 : i32
      %add3A_289 = arith.addi %add3A_265, %add3A_288 : i32
      %lt3A_290 = arith.constant 200 : i32
      %lt3A_291 = arith.cmpi slt, %add3A_289, %lt3A_290 : i32
      %convert_element_type3A_292 = arith.extui %lt3A_291 : i1 to i32
      %cond3A_293 = arith.constant 0 : i32
      %cond3A_294 = arith.cmpi ne, %convert_element_type3A_292, %cond3A_293 : i32
      scf.if %cond3A_294 {
        %dma_wait3A_460 = arith.constant 2 : i32
        %dma_wait3A_461 = arith.constant 0 : i32
        %dma_wait3A_462 = arith.constant 0 : i32
        %dma_wait3A_463 = tpu.memref_slice %arg8[%dma_wait3A_460, %dma_wait3A_461, %dma_wait3A_462] : memref<8x128x64xf32, #tpu.memory_space<vmem>> -> memref<1x128x64xf32, #tpu.memory_space<vmem>>
        %dma_wait3A_464 = tpu.memref_squeeze %dma_wait3A_463 : memref<1x128x64xf32, #tpu.memory_space<vmem>> -> memref<128x64xf32, #tpu.memory_space<vmem>>
        %dma_wait3A_465 = arith.constant 0 : i32
        %dma_wait3A_466 = tpu.memref_slice %arg7[%add3A_265, %dma_wait3A_465] : memref<200x128xi32, #tpu.memory_space<vmem>> -> memref<1x128xi32, #tpu.memory_space<vmem>>
        %dma_wait3A_467 = tpu.memref_squeeze %dma_wait3A_466 : memref<1x128xi32, #tpu.memory_space<vmem>> -> memref<128xi32, #tpu.memory_space<vmem>>
        %dma_wait3A_468 = arith.constant 0 : i32
        %dma_wait3A_469 = arith.constant 0 : i32
        %dma_wait3A_470 = tpu.memref_slice %arg5[%dma_wait3A_468, %dma_wait3A_469] : memref<1835008x64xf32, #tpu.memory_space<hbm>> -> memref<1835008x64xf32, #tpu.memory_space<hbm>>
        tpu.wait_indirect_dma semaphore(%arg19 : memref<!tpu.dma_semaphore, #tpu.memory_space<semaphore_mem>>) src(%dma_wait3A_464 : memref<128x64xf32, #tpu.memory_space<vmem>>) dst(%dma_wait3A_470 : memref<1835008x64xf32, #tpu.memory_space<hbm>>)
        %dma_start3A_471 = arith.constant 2 : i32
        %dma_start3A_472 = arith.constant 0 : i32
        %dma_start3A_473 = arith.constant 0 : i32
        %dma_start3A_474 = tpu.memref_slice %arg8[%dma_start3A_471, %dma_start3A_472, %dma_start3A_473] : memref<8x128x64xf32, #tpu.memory_space<vmem>> -> memref<1x128x64xf32, #tpu.memory_space<vmem>>
        %dma_start3A_475 = tpu.memref_squeeze %dma_start3A_474 : memref<1x128x64xf32, #tpu.memory_space<vmem>> -> memref<128x64xf32, #tpu.memory_space<vmem>>
        %dma_start3A_476 = arith.constant 0 : i32
        %dma_start3A_477 = tpu.memref_slice %arg6[%add3A_289, %dma_start3A_476] : memref<200x128xi32, #tpu.memory_space<vmem>> -> memref<1x128xi32, #tpu.memory_space<vmem>>
        %dma_start3A_478 = tpu.memref_squeeze %dma_start3A_477 : memref<1x128xi32, #tpu.memory_space<vmem>> -> memref<128xi32, #tpu.memory_space<vmem>>
        %dma_start3A_479 = arith.constant 0 : i32
        %dma_start3A_480 = arith.constant 0 : i32
        %dma_start3A_481 = tpu.memref_slice %arg2[%dma_start3A_479, %dma_start3A_480] : memref<1000000x64xf32, #tpu.memory_space<hbm>> -> memref<1000000x64xf32, #tpu.memory_space<hbm>>
        tpu.enqueue_indirect_dma source(%dma_start3A_481 : memref<1000000x64xf32, #tpu.memory_space<hbm>>) target(%dma_start3A_475 : memref<128x64xf32, #tpu.memory_space<vmem>>) offsets(%dma_start3A_478 : memref<128xi32, #tpu.memory_space<vmem>>) semaphore(%arg11 : memref<!tpu.dma_semaphore, #tpu.memory_space<semaphore_mem>>)
      } else {
      }
      %mul3A_295 = arith.constant 8 : i32
      %mul3A_296 = arith.muli %scan3A_198, %mul3A_295 : i32
      %add3A_297 = arith.constant 3 : i32
      %add3A_298 = arith.addi %mul3A_296, %add3A_297 : i32
      %dma_wait3A_299 = arith.constant 3 : i32
      %dma_wait3A_300 = arith.constant 0 : i32
      %dma_wait3A_301 = arith.constant 0 : i32
      %dma_wait3A_302 = tpu.memref_slice %arg8[%dma_wait3A_299, %dma_wait3A_300, %dma_wait3A_301] : memref<8x128x64xf32, #tpu.memory_space<vmem>> -> memref<1x128x64xf32, #tpu.memory_space<vmem>>
      %dma_wait3A_303 = tpu.memref_squeeze %dma_wait3A_302 : memref<1x128x64xf32, #tpu.memory_space<vmem>> -> memref<128x64xf32, #tpu.memory_space<vmem>>
      %dma_wait3A_304 = arith.constant 0 : i32
      %dma_wait3A_305 = tpu.memref_slice %arg6[%add3A_298, %dma_wait3A_304] : memref<200x128xi32, #tpu.memory_space<vmem>> -> memref<1x128xi32, #tpu.memory_space<vmem>>
      %dma_wait3A_306 = tpu.memref_squeeze %dma_wait3A_305 : memref<1x128xi32, #tpu.memory_space<vmem>> -> memref<128xi32, #tpu.memory_space<vmem>>
      %dma_wait3A_307 = arith.constant 0 : i32
      %dma_wait3A_308 = arith.constant 0 : i32
      %dma_wait3A_309 = tpu.memref_slice %arg2[%dma_wait3A_307, %dma_wait3A_308] : memref<1000000x64xf32, #tpu.memory_space<hbm>> -> memref<1000000x64xf32, #tpu.memory_space<hbm>>
      tpu.wait_indirect_dma semaphore(%arg12 : memref<!tpu.dma_semaphore, #tpu.memory_space<semaphore_mem>>) src(%dma_wait3A_309 : memref<1000000x64xf32, #tpu.memory_space<hbm>>) dst(%dma_wait3A_303 : memref<128x64xf32, #tpu.memory_space<vmem>>)
      %dma_start3A_310 = arith.constant 3 : i32
      %dma_start3A_311 = arith.constant 0 : i32
      %dma_start3A_312 = arith.constant 0 : i32
      %dma_start3A_313 = tpu.memref_slice %arg8[%dma_start3A_310, %dma_start3A_311, %dma_start3A_312] : memref<8x128x64xf32, #tpu.memory_space<vmem>> -> memref<1x128x64xf32, #tpu.memory_space<vmem>>
      %dma_start3A_314 = tpu.memref_squeeze %dma_start3A_313 : memref<1x128x64xf32, #tpu.memory_space<vmem>> -> memref<128x64xf32, #tpu.memory_space<vmem>>
      %dma_start3A_315 = arith.constant 0 : i32
      %dma_start3A_316 = tpu.memref_slice %arg7[%add3A_298, %dma_start3A_315] : memref<200x128xi32, #tpu.memory_space<vmem>> -> memref<1x128xi32, #tpu.memory_space<vmem>>
      %dma_start3A_317 = tpu.memref_squeeze %dma_start3A_316 : memref<1x128xi32, #tpu.memory_space<vmem>> -> memref<128xi32, #tpu.memory_space<vmem>>
      %dma_start3A_318 = arith.constant 0 : i32
      %dma_start3A_319 = arith.constant 0 : i32
      %dma_start3A_320 = tpu.memref_slice %arg5[%dma_start3A_318, %dma_start3A_319] : memref<1835008x64xf32, #tpu.memory_space<hbm>> -> memref<1835008x64xf32, #tpu.memory_space<hbm>>
      tpu.enqueue_indirect_dma source(%dma_start3A_314 : memref<128x64xf32, #tpu.memory_space<vmem>>) target(%dma_start3A_320 : memref<1835008x64xf32, #tpu.memory_space<hbm>>) offsets(%dma_start3A_317 : memref<128xi32, #tpu.memory_space<vmem>>) semaphore(%arg20 : memref<!tpu.dma_semaphore, #tpu.memory_space<semaphore_mem>>)
      %add3A_321 = arith.constant 8 : i32
      %add3A_322 = arith.addi %add3A_298, %add3A_321 : i32
      %lt3A_323 = arith.constant 200 : i32
      %lt3A_324 = arith.cmpi slt, %add3A_322, %lt3A_323 : i32
      %convert_element_type3A_325 = arith.extui %lt3A_324 : i1 to i32
      %cond3A_326 = arith.constant 0 : i32
      %cond3A_327 = arith.cmpi ne, %convert_element_type3A_325, %cond3A_326 : i32
      scf.if %cond3A_327 {
        %dma_wait3A_460 = arith.constant 3 : i32
        %dma_wait3A_461 = arith.constant 0 : i32
        %dma_wait3A_462 = arith.constant 0 : i32
        %dma_wait3A_463 = tpu.memref_slice %arg8[%dma_wait3A_460, %dma_wait3A_461, %dma_wait3A_462] : memref<8x128x64xf32, #tpu.memory_space<vmem>> -> memref<1x128x64xf32, #tpu.memory_space<vmem>>
        %dma_wait3A_464 = tpu.memref_squeeze %dma_wait3A_463 : memref<1x128x64xf32, #tpu.memory_space<vmem>> -> memref<128x64xf32, #tpu.memory_space<vmem>>
        %dma_wait3A_465 = arith.constant 0 : i32
        %dma_wait3A_466 = tpu.memref_slice %arg7[%add3A_298, %dma_wait3A_465] : memref<200x128xi32, #tpu.memory_space<vmem>> -> memref<1x128xi32, #tpu.memory_space<vmem>>
        %dma_wait3A_467 = tpu.memref_squeeze %dma_wait3A_466 : memref<1x128xi32, #tpu.memory_space<vmem>> -> memref<128xi32, #tpu.memory_space<vmem>>
        %dma_wait3A_468 = arith.constant 0 : i32
        %dma_wait3A_469 = arith.constant 0 : i32
        %dma_wait3A_470 = tpu.memref_slice %arg5[%dma_wait3A_468, %dma_wait3A_469] : memref<1835008x64xf32, #tpu.memory_space<hbm>> -> memref<1835008x64xf32, #tpu.memory_space<hbm>>
        tpu.wait_indirect_dma semaphore(%arg20 : memref<!tpu.dma_semaphore, #tpu.memory_space<semaphore_mem>>) src(%dma_wait3A_464 : memref<128x64xf32, #tpu.memory_space<vmem>>) dst(%dma_wait3A_470 : memref<1835008x64xf32, #tpu.memory_space<hbm>>)
        %dma_start3A_471 = arith.constant 3 : i32
        %dma_start3A_472 = arith.constant 0 : i32
        %dma_start3A_473 = arith.constant 0 : i32
        %dma_start3A_474 = tpu.memref_slice %arg8[%dma_start3A_471, %dma_start3A_472, %dma_start3A_473] : memref<8x128x64xf32, #tpu.memory_space<vmem>> -> memref<1x128x64xf32, #tpu.memory_space<vmem>>
        %dma_start3A_475 = tpu.memref_squeeze %dma_start3A_474 : memref<1x128x64xf32, #tpu.memory_space<vmem>> -> memref<128x64xf32, #tpu.memory_space<vmem>>
        %dma_start3A_476 = arith.constant 0 : i32
        %dma_start3A_477 = tpu.memref_slice %arg6[%add3A_322, %dma_start3A_476] : memref<200x128xi32, #tpu.memory_space<vmem>> -> memref<1x128xi32, #tpu.memory_space<vmem>>
        %dma_start3A_478 = tpu.memref_squeeze %dma_start3A_477 : memref<1x128xi32, #tpu.memory_space<vmem>> -> memref<128xi32, #tpu.memory_space<vmem>>
        %dma_start3A_479 = arith.constant 0 : i32
        %dma_start3A_480 = arith.constant 0 : i32
        %dma_start3A_481 = tpu.memref_slice %arg2[%dma_start3A_479, %dma_start3A_480] : memref<1000000x64xf32, #tpu.memory_space<hbm>> -> memref<1000000x64xf32, #tpu.memory_space<hbm>>
        tpu.enqueue_indirect_dma source(%dma_start3A_481 : memref<1000000x64xf32, #tpu.memory_space<hbm>>) target(%dma_start3A_475 : memref<128x64xf32, #tpu.memory_space<vmem>>) offsets(%dma_start3A_478 : memref<128xi32, #tpu.memory_space<vmem>>) semaphore(%arg12 : memref<!tpu.dma_semaphore, #tpu.memory_space<semaphore_mem>>)
      } else {
      }
      %mul3A_328 = arith.constant 8 : i32
      %mul3A_329 = arith.muli %scan3A_198, %mul3A_328 : i32
      %add3A_330 = arith.constant 4 : i32
      %add3A_331 = arith.addi %mul3A_329, %add3A_330 : i32
      %dma_wait3A_332 = arith.constant 4 : i32
      %dma_wait3A_333 = arith.constant 0 : i32
      %dma_wait3A_334 = arith.constant 0 : i32
      %dma_wait3A_335 = tpu.memref_slice %arg8[%dma_wait3A_332, %dma_wait3A_333, %dma_wait3A_334] : memref<8x128x64xf32, #tpu.memory_space<vmem>> -> memref<1x128x64xf32, #tpu.memory_space<vmem>>
      %dma_wait3A_336 = tpu.memref_squeeze %dma_wait3A_335 : memref<1x128x64xf32, #tpu.memory_space<vmem>> -> memref<128x64xf32, #tpu.memory_space<vmem>>
      %dma_wait3A_337 = arith.constant 0 : i32
      %dma_wait3A_338 = tpu.memref_slice %arg6[%add3A_331, %dma_wait3A_337] : memref<200x128xi32, #tpu.memory_space<vmem>> -> memref<1x128xi32, #tpu.memory_space<vmem>>
      %dma_wait3A_339 = tpu.memref_squeeze %dma_wait3A_338 : memref<1x128xi32, #tpu.memory_space<vmem>> -> memref<128xi32, #tpu.memory_space<vmem>>
      %dma_wait3A_340 = arith.constant 0 : i32
      %dma_wait3A_341 = arith.constant 0 : i32
      %dma_wait3A_342 = tpu.memref_slice %arg2[%dma_wait3A_340, %dma_wait3A_341] : memref<1000000x64xf32, #tpu.memory_space<hbm>> -> memref<1000000x64xf32, #tpu.memory_space<hbm>>
      tpu.wait_indirect_dma semaphore(%arg13 : memref<!tpu.dma_semaphore, #tpu.memory_space<semaphore_mem>>) src(%dma_wait3A_342 : memref<1000000x64xf32, #tpu.memory_space<hbm>>) dst(%dma_wait3A_336 : memref<128x64xf32, #tpu.memory_space<vmem>>)
      %dma_start3A_343 = arith.constant 4 : i32
      %dma_start3A_344 = arith.constant 0 : i32
      %dma_start3A_345 = arith.constant 0 : i32
      %dma_start3A_346 = tpu.memref_slice %arg8[%dma_start3A_343, %dma_start3A_344, %dma_start3A_345] : memref<8x128x64xf32, #tpu.memory_space<vmem>> -> memref<1x128x64xf32, #tpu.memory_space<vmem>>
      %dma_start3A_347 = tpu.memref_squeeze %dma_start3A_346 : memref<1x128x64xf32, #tpu.memory_space<vmem>> -> memref<128x64xf32, #tpu.memory_space<vmem>>
      %dma_start3A_348 = arith.constant 0 : i32
      %dma_start3A_349 = tpu.memref_slice %arg7[%add3A_331, %dma_start3A_348] : memref<200x128xi32, #tpu.memory_space<vmem>> -> memref<1x128xi32, #tpu.memory_space<vmem>>
      %dma_start3A_350 = tpu.memref_squeeze %dma_start3A_349 : memref<1x128xi32, #tpu.memory_space<vmem>> -> memref<128xi32, #tpu.memory_space<vmem>>
      %dma_start3A_351 = arith.constant 0 : i32
      %dma_start3A_352 = arith.constant 0 : i32
      %dma_start3A_353 = tpu.memref_slice %arg5[%dma_start3A_351, %dma_start3A_352] : memref<1835008x64xf32, #tpu.memory_space<hbm>> -> memref<1835008x64xf32, #tpu.memory_space<hbm>>
      tpu.enqueue_indirect_dma source(%dma_start3A_347 : memref<128x64xf32, #tpu.memory_space<vmem>>) target(%dma_start3A_353 : memref<1835008x64xf32, #tpu.memory_space<hbm>>) offsets(%dma_start3A_350 : memref<128xi32, #tpu.memory_space<vmem>>) semaphore(%arg21 : memref<!tpu.dma_semaphore, #tpu.memory_space<semaphore_mem>>)
      %add3A_354 = arith.constant 8 : i32
      %add3A_355 = arith.addi %add3A_331, %add3A_354 : i32
      %lt3A_356 = arith.constant 200 : i32
      %lt3A_357 = arith.cmpi slt, %add3A_355, %lt3A_356 : i32
      %convert_element_type3A_358 = arith.extui %lt3A_357 : i1 to i32
      %cond3A_359 = arith.constant 0 : i32
      %cond3A_360 = arith.cmpi ne, %convert_element_type3A_358, %cond3A_359 : i32
      scf.if %cond3A_360 {
        %dma_wait3A_460 = arith.constant 4 : i32
        %dma_wait3A_461 = arith.constant 0 : i32
        %dma_wait3A_462 = arith.constant 0 : i32
        %dma_wait3A_463 = tpu.memref_slice %arg8[%dma_wait3A_460, %dma_wait3A_461, %dma_wait3A_462] : memref<8x128x64xf32, #tpu.memory_space<vmem>> -> memref<1x128x64xf32, #tpu.memory_space<vmem>>
        %dma_wait3A_464 = tpu.memref_squeeze %dma_wait3A_463 : memref<1x128x64xf32, #tpu.memory_space<vmem>> -> memref<128x64xf32, #tpu.memory_space<vmem>>
        %dma_wait3A_465 = arith.constant 0 : i32
        %dma_wait3A_466 = tpu.memref_slice %arg7[%add3A_331, %dma_wait3A_465] : memref<200x128xi32, #tpu.memory_space<vmem>> -> memref<1x128xi32, #tpu.memory_space<vmem>>
        %dma_wait3A_467 = tpu.memref_squeeze %dma_wait3A_466 : memref<1x128xi32, #tpu.memory_space<vmem>> -> memref<128xi32, #tpu.memory_space<vmem>>
        %dma_wait3A_468 = arith.constant 0 : i32
        %dma_wait3A_469 = arith.constant 0 : i32
        %dma_wait3A_470 = tpu.memref_slice %arg5[%dma_wait3A_468, %dma_wait3A_469] : memref<1835008x64xf32, #tpu.memory_space<hbm>> -> memref<1835008x64xf32, #tpu.memory_space<hbm>>
        tpu.wait_indirect_dma semaphore(%arg21 : memref<!tpu.dma_semaphore, #tpu.memory_space<semaphore_mem>>) src(%dma_wait3A_464 : memref<128x64xf32, #tpu.memory_space<vmem>>) dst(%dma_wait3A_470 : memref<1835008x64xf32, #tpu.memory_space<hbm>>)
        %dma_start3A_471 = arith.constant 4 : i32
        %dma_start3A_472 = arith.constant 0 : i32
        %dma_start3A_473 = arith.constant 0 : i32
        %dma_start3A_474 = tpu.memref_slice %arg8[%dma_start3A_471, %dma_start3A_472, %dma_start3A_473] : memref<8x128x64xf32, #tpu.memory_space<vmem>> -> memref<1x128x64xf32, #tpu.memory_space<vmem>>
        %dma_start3A_475 = tpu.memref_squeeze %dma_start3A_474 : memref<1x128x64xf32, #tpu.memory_space<vmem>> -> memref<128x64xf32, #tpu.memory_space<vmem>>
        %dma_start3A_476 = arith.constant 0 : i32
        %dma_start3A_477 = tpu.memref_slice %arg6[%add3A_355, %dma_start3A_476] : memref<200x128xi32, #tpu.memory_space<vmem>> -> memref<1x128xi32, #tpu.memory_space<vmem>>
        %dma_start3A_478 = tpu.memref_squeeze %dma_start3A_477 : memref<1x128xi32, #tpu.memory_space<vmem>> -> memref<128xi32, #tpu.memory_space<vmem>>
        %dma_start3A_479 = arith.constant 0 : i32
        %dma_start3A_480 = arith.constant 0 : i32
        %dma_start3A_481 = tpu.memref_slice %arg2[%dma_start3A_479, %dma_start3A_480] : memref<1000000x64xf32, #tpu.memory_space<hbm>> -> memref<1000000x64xf32, #tpu.memory_space<hbm>>
        tpu.enqueue_indirect_dma source(%dma_start3A_481 : memref<1000000x64xf32, #tpu.memory_space<hbm>>) target(%dma_start3A_475 : memref<128x64xf32, #tpu.memory_space<vmem>>) offsets(%dma_start3A_478 : memref<128xi32, #tpu.memory_space<vmem>>) semaphore(%arg13 : memref<!tpu.dma_semaphore, #tpu.memory_space<semaphore_mem>>)
      } else {
      }
      %mul3A_361 = arith.constant 8 : i32
      %mul3A_362 = arith.muli %scan3A_198, %mul3A_361 : i32
      %add3A_363 = arith.constant 5 : i32
      %add3A_364 = arith.addi %mul3A_362, %add3A_363 : i32
      %dma_wait3A_365 = arith.constant 5 : i32
      %dma_wait3A_366 = arith.constant 0 : i32
      %dma_wait3A_367 = arith.constant 0 : i32
      %dma_wait3A_368 = tpu.memref_slice %arg8[%dma_wait3A_365, %dma_wait3A_366, %dma_wait3A_367] : memref<8x128x64xf32, #tpu.memory_space<vmem>> -> memref<1x128x64xf32, #tpu.memory_space<vmem>>
      %dma_wait3A_369 = tpu.memref_squeeze %dma_wait3A_368 : memref<1x128x64xf32, #tpu.memory_space<vmem>> -> memref<128x64xf32, #tpu.memory_space<vmem>>
      %dma_wait3A_370 = arith.constant 0 : i32
      %dma_wait3A_371 = tpu.memref_slice %arg6[%add3A_364, %dma_wait3A_370] : memref<200x128xi32, #tpu.memory_space<vmem>> -> memref<1x128xi32, #tpu.memory_space<vmem>>
      %dma_wait3A_372 = tpu.memref_squeeze %dma_wait3A_371 : memref<1x128xi32, #tpu.memory_space<vmem>> -> memref<128xi32, #tpu.memory_space<vmem>>
      %dma_wait3A_373 = arith.constant 0 : i32
      %dma_wait3A_374 = arith.constant 0 : i32
      %dma_wait3A_375 = tpu.memref_slice %arg2[%dma_wait3A_373, %dma_wait3A_374] : memref<1000000x64xf32, #tpu.memory_space<hbm>> -> memref<1000000x64xf32, #tpu.memory_space<hbm>>
      tpu.wait_indirect_dma semaphore(%arg14 : memref<!tpu.dma_semaphore, #tpu.memory_space<semaphore_mem>>) src(%dma_wait3A_375 : memref<1000000x64xf32, #tpu.memory_space<hbm>>) dst(%dma_wait3A_369 : memref<128x64xf32, #tpu.memory_space<vmem>>)
      %dma_start3A_376 = arith.constant 5 : i32
      %dma_start3A_377 = arith.constant 0 : i32
      %dma_start3A_378 = arith.constant 0 : i32
      %dma_start3A_379 = tpu.memref_slice %arg8[%dma_start3A_376, %dma_start3A_377, %dma_start3A_378] : memref<8x128x64xf32, #tpu.memory_space<vmem>> -> memref<1x128x64xf32, #tpu.memory_space<vmem>>
      %dma_start3A_380 = tpu.memref_squeeze %dma_start3A_379 : memref<1x128x64xf32, #tpu.memory_space<vmem>> -> memref<128x64xf32, #tpu.memory_space<vmem>>
      %dma_start3A_381 = arith.constant 0 : i32
      %dma_start3A_382 = tpu.memref_slice %arg7[%add3A_364, %dma_start3A_381] : memref<200x128xi32, #tpu.memory_space<vmem>> -> memref<1x128xi32, #tpu.memory_space<vmem>>
      %dma_start3A_383 = tpu.memref_squeeze %dma_start3A_382 : memref<1x128xi32, #tpu.memory_space<vmem>> -> memref<128xi32, #tpu.memory_space<vmem>>
      %dma_start3A_384 = arith.constant 0 : i32
      %dma_start3A_385 = arith.constant 0 : i32
      %dma_start3A_386 = tpu.memref_slice %arg5[%dma_start3A_384, %dma_start3A_385] : memref<1835008x64xf32, #tpu.memory_space<hbm>> -> memref<1835008x64xf32, #tpu.memory_space<hbm>>
      tpu.enqueue_indirect_dma source(%dma_start3A_380 : memref<128x64xf32, #tpu.memory_space<vmem>>) target(%dma_start3A_386 : memref<1835008x64xf32, #tpu.memory_space<hbm>>) offsets(%dma_start3A_383 : memref<128xi32, #tpu.memory_space<vmem>>) semaphore(%arg22 : memref<!tpu.dma_semaphore, #tpu.memory_space<semaphore_mem>>)
      %add3A_387 = arith.constant 8 : i32
      %add3A_388 = arith.addi %add3A_364, %add3A_387 : i32
      %lt3A_389 = arith.constant 200 : i32
      %lt3A_390 = arith.cmpi slt, %add3A_388, %lt3A_389 : i32
      %convert_element_type3A_391 = arith.extui %lt3A_390 : i1 to i32
      %cond3A_392 = arith.constant 0 : i32
      %cond3A_393 = arith.cmpi ne, %convert_element_type3A_391, %cond3A_392 : i32
      scf.if %cond3A_393 {
        %dma_wait3A_460 = arith.constant 5 : i32
        %dma_wait3A_461 = arith.constant 0 : i32
        %dma_wait3A_462 = arith.constant 0 : i32
        %dma_wait3A_463 = tpu.memref_slice %arg8[%dma_wait3A_460, %dma_wait3A_461, %dma_wait3A_462] : memref<8x128x64xf32, #tpu.memory_space<vmem>> -> memref<1x128x64xf32, #tpu.memory_space<vmem>>
        %dma_wait3A_464 = tpu.memref_squeeze %dma_wait3A_463 : memref<1x128x64xf32, #tpu.memory_space<vmem>> -> memref<128x64xf32, #tpu.memory_space<vmem>>
        %dma_wait3A_465 = arith.constant 0 : i32
        %dma_wait3A_466 = tpu.memref_slice %arg7[%add3A_364, %dma_wait3A_465] : memref<200x128xi32, #tpu.memory_space<vmem>> -> memref<1x128xi32, #tpu.memory_space<vmem>>
        %dma_wait3A_467 = tpu.memref_squeeze %dma_wait3A_466 : memref<1x128xi32, #tpu.memory_space<vmem>> -> memref<128xi32, #tpu.memory_space<vmem>>
        %dma_wait3A_468 = arith.constant 0 : i32
        %dma_wait3A_469 = arith.constant 0 : i32
        %dma_wait3A_470 = tpu.memref_slice %arg5[%dma_wait3A_468, %dma_wait3A_469] : memref<1835008x64xf32, #tpu.memory_space<hbm>> -> memref<1835008x64xf32, #tpu.memory_space<hbm>>
        tpu.wait_indirect_dma semaphore(%arg22 : memref<!tpu.dma_semaphore, #tpu.memory_space<semaphore_mem>>) src(%dma_wait3A_464 : memref<128x64xf32, #tpu.memory_space<vmem>>) dst(%dma_wait3A_470 : memref<1835008x64xf32, #tpu.memory_space<hbm>>)
        %dma_start3A_471 = arith.constant 5 : i32
        %dma_start3A_472 = arith.constant 0 : i32
        %dma_start3A_473 = arith.constant 0 : i32
        %dma_start3A_474 = tpu.memref_slice %arg8[%dma_start3A_471, %dma_start3A_472, %dma_start3A_473] : memref<8x128x64xf32, #tpu.memory_space<vmem>> -> memref<1x128x64xf32, #tpu.memory_space<vmem>>
        %dma_start3A_475 = tpu.memref_squeeze %dma_start3A_474 : memref<1x128x64xf32, #tpu.memory_space<vmem>> -> memref<128x64xf32, #tpu.memory_space<vmem>>
        %dma_start3A_476 = arith.constant 0 : i32
        %dma_start3A_477 = tpu.memref_slice %arg6[%add3A_388, %dma_start3A_476] : memref<200x128xi32, #tpu.memory_space<vmem>> -> memref<1x128xi32, #tpu.memory_space<vmem>>
        %dma_start3A_478 = tpu.memref_squeeze %dma_start3A_477 : memref<1x128xi32, #tpu.memory_space<vmem>> -> memref<128xi32, #tpu.memory_space<vmem>>
        %dma_start3A_479 = arith.constant 0 : i32
        %dma_start3A_480 = arith.constant 0 : i32
        %dma_start3A_481 = tpu.memref_slice %arg2[%dma_start3A_479, %dma_start3A_480] : memref<1000000x64xf32, #tpu.memory_space<hbm>> -> memref<1000000x64xf32, #tpu.memory_space<hbm>>
        tpu.enqueue_indirect_dma source(%dma_start3A_481 : memref<1000000x64xf32, #tpu.memory_space<hbm>>) target(%dma_start3A_475 : memref<128x64xf32, #tpu.memory_space<vmem>>) offsets(%dma_start3A_478 : memref<128xi32, #tpu.memory_space<vmem>>) semaphore(%arg14 : memref<!tpu.dma_semaphore, #tpu.memory_space<semaphore_mem>>)
      } else {
      }
      %mul3A_394 = arith.constant 8 : i32
      %mul3A_395 = arith.muli %scan3A_198, %mul3A_394 : i32
      %add3A_396 = arith.constant 6 : i32
      %add3A_397 = arith.addi %mul3A_395, %add3A_396 : i32
      %dma_wait3A_398 = arith.constant 6 : i32
      %dma_wait3A_399 = arith.constant 0 : i32
      %dma_wait3A_400 = arith.constant 0 : i32
      %dma_wait3A_401 = tpu.memref_slice %arg8[%dma_wait3A_398, %dma_wait3A_399, %dma_wait3A_400] : memref<8x128x64xf32, #tpu.memory_space<vmem>> -> memref<1x128x64xf32, #tpu.memory_space<vmem>>
      %dma_wait3A_402 = tpu.memref_squeeze %dma_wait3A_401 : memref<1x128x64xf32, #tpu.memory_space<vmem>> -> memref<128x64xf32, #tpu.memory_space<vmem>>
      %dma_wait3A_403 = arith.constant 0 : i32
      %dma_wait3A_404 = tpu.memref_slice %arg6[%add3A_397, %dma_wait3A_403] : memref<200x128xi32, #tpu.memory_space<vmem>> -> memref<1x128xi32, #tpu.memory_space<vmem>>
      %dma_wait3A_405 = tpu.memref_squeeze %dma_wait3A_404 : memref<1x128xi32, #tpu.memory_space<vmem>> -> memref<128xi32, #tpu.memory_space<vmem>>
      %dma_wait3A_406 = arith.constant 0 : i32
      %dma_wait3A_407 = arith.constant 0 : i32
      %dma_wait3A_408 = tpu.memref_slice %arg2[%dma_wait3A_406, %dma_wait3A_407] : memref<1000000x64xf32, #tpu.memory_space<hbm>> -> memref<1000000x64xf32, #tpu.memory_space<hbm>>
      tpu.wait_indirect_dma semaphore(%arg15 : memref<!tpu.dma_semaphore, #tpu.memory_space<semaphore_mem>>) src(%dma_wait3A_408 : memref<1000000x64xf32, #tpu.memory_space<hbm>>) dst(%dma_wait3A_402 : memref<128x64xf32, #tpu.memory_space<vmem>>)
      %dma_start3A_409 = arith.constant 6 : i32
      %dma_start3A_410 = arith.constant 0 : i32
      %dma_start3A_411 = arith.constant 0 : i32
      %dma_start3A_412 = tpu.memref_slice %arg8[%dma_start3A_409, %dma_start3A_410, %dma_start3A_411] : memref<8x128x64xf32, #tpu.memory_space<vmem>> -> memref<1x128x64xf32, #tpu.memory_space<vmem>>
      %dma_start3A_413 = tpu.memref_squeeze %dma_start3A_412 : memref<1x128x64xf32, #tpu.memory_space<vmem>> -> memref<128x64xf32, #tpu.memory_space<vmem>>
      %dma_start3A_414 = arith.constant 0 : i32
      %dma_start3A_415 = tpu.memref_slice %arg7[%add3A_397, %dma_start3A_414] : memref<200x128xi32, #tpu.memory_space<vmem>> -> memref<1x128xi32, #tpu.memory_space<vmem>>
      %dma_start3A_416 = tpu.memref_squeeze %dma_start3A_415 : memref<1x128xi32, #tpu.memory_space<vmem>> -> memref<128xi32, #tpu.memory_space<vmem>>
      %dma_start3A_417 = arith.constant 0 : i32
      %dma_start3A_418 = arith.constant 0 : i32
      %dma_start3A_419 = tpu.memref_slice %arg5[%dma_start3A_417, %dma_start3A_418] : memref<1835008x64xf32, #tpu.memory_space<hbm>> -> memref<1835008x64xf32, #tpu.memory_space<hbm>>
      tpu.enqueue_indirect_dma source(%dma_start3A_413 : memref<128x64xf32, #tpu.memory_space<vmem>>) target(%dma_start3A_419 : memref<1835008x64xf32, #tpu.memory_space<hbm>>) offsets(%dma_start3A_416 : memref<128xi32, #tpu.memory_space<vmem>>) semaphore(%arg23 : memref<!tpu.dma_semaphore, #tpu.memory_space<semaphore_mem>>)
      %add3A_420 = arith.constant 8 : i32
      %add3A_421 = arith.addi %add3A_397, %add3A_420 : i32
      %lt3A_422 = arith.constant 200 : i32
      %lt3A_423 = arith.cmpi slt, %add3A_421, %lt3A_422 : i32
      %convert_element_type3A_424 = arith.extui %lt3A_423 : i1 to i32
      %cond3A_425 = arith.constant 0 : i32
      %cond3A_426 = arith.cmpi ne, %convert_element_type3A_424, %cond3A_425 : i32
      scf.if %cond3A_426 {
        %dma_wait3A_460 = arith.constant 6 : i32
        %dma_wait3A_461 = arith.constant 0 : i32
        %dma_wait3A_462 = arith.constant 0 : i32
        %dma_wait3A_463 = tpu.memref_slice %arg8[%dma_wait3A_460, %dma_wait3A_461, %dma_wait3A_462] : memref<8x128x64xf32, #tpu.memory_space<vmem>> -> memref<1x128x64xf32, #tpu.memory_space<vmem>>
        %dma_wait3A_464 = tpu.memref_squeeze %dma_wait3A_463 : memref<1x128x64xf32, #tpu.memory_space<vmem>> -> memref<128x64xf32, #tpu.memory_space<vmem>>
        %dma_wait3A_465 = arith.constant 0 : i32
        %dma_wait3A_466 = tpu.memref_slice %arg7[%add3A_397, %dma_wait3A_465] : memref<200x128xi32, #tpu.memory_space<vmem>> -> memref<1x128xi32, #tpu.memory_space<vmem>>
        %dma_wait3A_467 = tpu.memref_squeeze %dma_wait3A_466 : memref<1x128xi32, #tpu.memory_space<vmem>> -> memref<128xi32, #tpu.memory_space<vmem>>
        %dma_wait3A_468 = arith.constant 0 : i32
        %dma_wait3A_469 = arith.constant 0 : i32
        %dma_wait3A_470 = tpu.memref_slice %arg5[%dma_wait3A_468, %dma_wait3A_469] : memref<1835008x64xf32, #tpu.memory_space<hbm>> -> memref<1835008x64xf32, #tpu.memory_space<hbm>>
        tpu.wait_indirect_dma semaphore(%arg23 : memref<!tpu.dma_semaphore, #tpu.memory_space<semaphore_mem>>) src(%dma_wait3A_464 : memref<128x64xf32, #tpu.memory_space<vmem>>) dst(%dma_wait3A_470 : memref<1835008x64xf32, #tpu.memory_space<hbm>>)
        %dma_start3A_471 = arith.constant 6 : i32
        %dma_start3A_472 = arith.constant 0 : i32
        %dma_start3A_473 = arith.constant 0 : i32
        %dma_start3A_474 = tpu.memref_slice %arg8[%dma_start3A_471, %dma_start3A_472, %dma_start3A_473] : memref<8x128x64xf32, #tpu.memory_space<vmem>> -> memref<1x128x64xf32, #tpu.memory_space<vmem>>
        %dma_start3A_475 = tpu.memref_squeeze %dma_start3A_474 : memref<1x128x64xf32, #tpu.memory_space<vmem>> -> memref<128x64xf32, #tpu.memory_space<vmem>>
        %dma_start3A_476 = arith.constant 0 : i32
        %dma_start3A_477 = tpu.memref_slice %arg6[%add3A_421, %dma_start3A_476] : memref<200x128xi32, #tpu.memory_space<vmem>> -> memref<1x128xi32, #tpu.memory_space<vmem>>
        %dma_start3A_478 = tpu.memref_squeeze %dma_start3A_477 : memref<1x128xi32, #tpu.memory_space<vmem>> -> memref<128xi32, #tpu.memory_space<vmem>>
        %dma_start3A_479 = arith.constant 0 : i32
        %dma_start3A_480 = arith.constant 0 : i32
        %dma_start3A_481 = tpu.memref_slice %arg2[%dma_start3A_479, %dma_start3A_480] : memref<1000000x64xf32, #tpu.memory_space<hbm>> -> memref<1000000x64xf32, #tpu.memory_space<hbm>>
        tpu.enqueue_indirect_dma source(%dma_start3A_481 : memref<1000000x64xf32, #tpu.memory_space<hbm>>) target(%dma_start3A_475 : memref<128x64xf32, #tpu.memory_space<vmem>>) offsets(%dma_start3A_478 : memref<128xi32, #tpu.memory_space<vmem>>) semaphore(%arg15 : memref<!tpu.dma_semaphore, #tpu.memory_space<semaphore_mem>>)
      } else {
      }
      %mul3A_427 = arith.constant 8 : i32
      %mul3A_428 = arith.muli %scan3A_198, %mul3A_427 : i32
      %add3A_429 = arith.constant 7 : i32
      %add3A_430 = arith.addi %mul3A_428, %add3A_429 : i32
      %dma_wait3A_431 = arith.constant 7 : i32
      %dma_wait3A_432 = arith.constant 0 : i32
      %dma_wait3A_433 = arith.constant 0 : i32
      %dma_wait3A_434 = tpu.memref_slice %arg8[%dma_wait3A_431, %dma_wait3A_432, %dma_wait3A_433] : memref<8x128x64xf32, #tpu.memory_space<vmem>> -> memref<1x128x64xf32, #tpu.memory_space<vmem>>
      %dma_wait3A_435 = tpu.memref_squeeze %dma_wait3A_434 : memref<1x128x64xf32, #tpu.memory_space<vmem>> -> memref<128x64xf32, #tpu.memory_space<vmem>>
      %dma_wait3A_436 = arith.constant 0 : i32
      %dma_wait3A_437 = tpu.memref_slice %arg6[%add3A_430, %dma_wait3A_436] : memref<200x128xi32, #tpu.memory_space<vmem>> -> memref<1x128xi32, #tpu.memory_space<vmem>>
      %dma_wait3A_438 = tpu.memref_squeeze %dma_wait3A_437 : memref<1x128xi32, #tpu.memory_space<vmem>> -> memref<128xi32, #tpu.memory_space<vmem>>
      %dma_wait3A_439 = arith.constant 0 : i32
      %dma_wait3A_440 = arith.constant 0 : i32
      %dma_wait3A_441 = tpu.memref_slice %arg2[%dma_wait3A_439, %dma_wait3A_440] : memref<1000000x64xf32, #tpu.memory_space<hbm>> -> memref<1000000x64xf32, #tpu.memory_space<hbm>>
      tpu.wait_indirect_dma semaphore(%arg16 : memref<!tpu.dma_semaphore, #tpu.memory_space<semaphore_mem>>) src(%dma_wait3A_441 : memref<1000000x64xf32, #tpu.memory_space<hbm>>) dst(%dma_wait3A_435 : memref<128x64xf32, #tpu.memory_space<vmem>>)
      %dma_start3A_442 = arith.constant 7 : i32
      %dma_start3A_443 = arith.constant 0 : i32
      %dma_start3A_444 = arith.constant 0 : i32
      %dma_start3A_445 = tpu.memref_slice %arg8[%dma_start3A_442, %dma_start3A_443, %dma_start3A_444] : memref<8x128x64xf32, #tpu.memory_space<vmem>> -> memref<1x128x64xf32, #tpu.memory_space<vmem>>
      %dma_start3A_446 = tpu.memref_squeeze %dma_start3A_445 : memref<1x128x64xf32, #tpu.memory_space<vmem>> -> memref<128x64xf32, #tpu.memory_space<vmem>>
      %dma_start3A_447 = arith.constant 0 : i32
      %dma_start3A_448 = tpu.memref_slice %arg7[%add3A_430, %dma_start3A_447] : memref<200x128xi32, #tpu.memory_space<vmem>> -> memref<1x128xi32, #tpu.memory_space<vmem>>
      %dma_start3A_449 = tpu.memref_squeeze %dma_start3A_448 : memref<1x128xi32, #tpu.memory_space<vmem>> -> memref<128xi32, #tpu.memory_space<vmem>>
      %dma_start3A_450 = arith.constant 0 : i32
      %dma_start3A_451 = arith.constant 0 : i32
      %dma_start3A_452 = tpu.memref_slice %arg5[%dma_start3A_450, %dma_start3A_451] : memref<1835008x64xf32, #tpu.memory_space<hbm>> -> memref<1835008x64xf32, #tpu.memory_space<hbm>>
      tpu.enqueue_indirect_dma source(%dma_start3A_446 : memref<128x64xf32, #tpu.memory_space<vmem>>) target(%dma_start3A_452 : memref<1835008x64xf32, #tpu.memory_space<hbm>>) offsets(%dma_start3A_449 : memref<128xi32, #tpu.memory_space<vmem>>) semaphore(%arg24 : memref<!tpu.dma_semaphore, #tpu.memory_space<semaphore_mem>>)
      %add3A_453 = arith.constant 8 : i32
      %add3A_454 = arith.addi %add3A_430, %add3A_453 : i32
      %lt3A_455 = arith.constant 200 : i32
      %lt3A_456 = arith.cmpi slt, %add3A_454, %lt3A_455 : i32
      %convert_element_type3A_457 = arith.extui %lt3A_456 : i1 to i32
      %cond3A_458 = arith.constant 0 : i32
      %cond3A_459 = arith.cmpi ne, %convert_element_type3A_457, %cond3A_458 : i32
      scf.if %cond3A_459 {
        %dma_wait3A_460 = arith.constant 7 : i32
        %dma_wait3A_461 = arith.constant 0 : i32
        %dma_wait3A_462 = arith.constant 0 : i32
        %dma_wait3A_463 = tpu.memref_slice %arg8[%dma_wait3A_460, %dma_wait3A_461, %dma_wait3A_462] : memref<8x128x64xf32, #tpu.memory_space<vmem>> -> memref<1x128x64xf32, #tpu.memory_space<vmem>>
        %dma_wait3A_464 = tpu.memref_squeeze %dma_wait3A_463 : memref<1x128x64xf32, #tpu.memory_space<vmem>> -> memref<128x64xf32, #tpu.memory_space<vmem>>
        %dma_wait3A_465 = arith.constant 0 : i32
        %dma_wait3A_466 = tpu.memref_slice %arg7[%add3A_430, %dma_wait3A_465] : memref<200x128xi32, #tpu.memory_space<vmem>> -> memref<1x128xi32, #tpu.memory_space<vmem>>
        %dma_wait3A_467 = tpu.memref_squeeze %dma_wait3A_466 : memref<1x128xi32, #tpu.memory_space<vmem>> -> memref<128xi32, #tpu.memory_space<vmem>>
        %dma_wait3A_468 = arith.constant 0 : i32
        %dma_wait3A_469 = arith.constant 0 : i32
        %dma_wait3A_470 = tpu.memref_slice %arg5[%dma_wait3A_468, %dma_wait3A_469] : memref<1835008x64xf32, #tpu.memory_space<hbm>> -> memref<1835008x64xf32, #tpu.memory_space<hbm>>
        tpu.wait_indirect_dma semaphore(%arg24 : memref<!tpu.dma_semaphore, #tpu.memory_space<semaphore_mem>>) src(%dma_wait3A_464 : memref<128x64xf32, #tpu.memory_space<vmem>>) dst(%dma_wait3A_470 : memref<1835008x64xf32, #tpu.memory_space<hbm>>)
        %dma_start3A_471 = arith.constant 7 : i32
        %dma_start3A_472 = arith.constant 0 : i32
        %dma_start3A_473 = arith.constant 0 : i32
        %dma_start3A_474 = tpu.memref_slice %arg8[%dma_start3A_471, %dma_start3A_472, %dma_start3A_473] : memref<8x128x64xf32, #tpu.memory_space<vmem>> -> memref<1x128x64xf32, #tpu.memory_space<vmem>>
        %dma_start3A_475 = tpu.memref_squeeze %dma_start3A_474 : memref<1x128x64xf32, #tpu.memory_space<vmem>> -> memref<128x64xf32, #tpu.memory_space<vmem>>
        %dma_start3A_476 = arith.constant 0 : i32
        %dma_start3A_477 = tpu.memref_slice %arg6[%add3A_454, %dma_start3A_476] : memref<200x128xi32, #tpu.memory_space<vmem>> -> memref<1x128xi32, #tpu.memory_space<vmem>>
        %dma_start3A_478 = tpu.memref_squeeze %dma_start3A_477 : memref<1x128xi32, #tpu.memory_space<vmem>> -> memref<128xi32, #tpu.memory_space<vmem>>
        %dma_start3A_479 = arith.constant 0 : i32
        %dma_start3A_480 = arith.constant 0 : i32
        %dma_start3A_481 = tpu.memref_slice %arg2[%dma_start3A_479, %dma_start3A_480] : memref<1000000x64xf32, #tpu.memory_space<hbm>> -> memref<1000000x64xf32, #tpu.memory_space<hbm>>
        tpu.enqueue_indirect_dma source(%dma_start3A_481 : memref<1000000x64xf32, #tpu.memory_space<hbm>>) target(%dma_start3A_475 : memref<128x64xf32, #tpu.memory_space<vmem>>) offsets(%dma_start3A_478 : memref<128xi32, #tpu.memory_space<vmem>>) semaphore(%arg16 : memref<!tpu.dma_semaphore, #tpu.memory_space<semaphore_mem>>)
      } else {
      }
    }
    %scan3A_102 = arith.constant 25 : i32
    %dma_wait3A = arith.constant 0 : i32
    %dma_wait3A_103 = arith.constant 192 : i32
    %dma_wait3A_104 = arith.constant 0 : i32
    %dma_wait3A_105 = arith.constant 0 : i32
    %dma_wait3A_106 = tpu.memref_slice %arg8[%dma_wait3A, %dma_wait3A_104, %dma_wait3A_105] : memref<8x128x64xf32, #tpu.memory_space<vmem>> -> memref<1x128x64xf32, #tpu.memory_space<vmem>>
    %dma_wait3A_107 = tpu.memref_squeeze %dma_wait3A_106 : memref<1x128x64xf32, #tpu.memory_space<vmem>> -> memref<128x64xf32, #tpu.memory_space<vmem>>
    %dma_wait3A_108 = arith.constant 0 : i32
    %dma_wait3A_109 = tpu.memref_slice %arg7[%dma_wait3A_103, %dma_wait3A_108] : memref<200x128xi32, #tpu.memory_space<vmem>> -> memref<1x128xi32, #tpu.memory_space<vmem>>
    %dma_wait3A_110 = tpu.memref_squeeze %dma_wait3A_109 : memref<1x128xi32, #tpu.memory_space<vmem>> -> memref<128xi32, #tpu.memory_space<vmem>>
    %dma_wait3A_111 = arith.constant 0 : i32
    %dma_wait3A_112 = arith.constant 0 : i32
    %dma_wait3A_113 = tpu.memref_slice %arg5[%dma_wait3A_111, %dma_wait3A_112] : memref<1835008x64xf32, #tpu.memory_space<hbm>> -> memref<1835008x64xf32, #tpu.memory_space<hbm>>
    tpu.wait_indirect_dma semaphore(%arg17 : memref<!tpu.dma_semaphore, #tpu.memory_space<semaphore_mem>>) src(%dma_wait3A_107 : memref<128x64xf32, #tpu.memory_space<vmem>>) dst(%dma_wait3A_113 : memref<1835008x64xf32, #tpu.memory_space<hbm>>)
    %dma_wait3A_114 = arith.constant 1 : i32
    %dma_wait3A_115 = arith.constant 193 : i32
    %dma_wait3A_116 = arith.constant 0 : i32
    %dma_wait3A_117 = arith.constant 0 : i32
    %dma_wait3A_118 = tpu.memref_slice %arg8[%dma_wait3A_114, %dma_wait3A_116, %dma_wait3A_117] : memref<8x128x64xf32, #tpu.memory_space<vmem>> -> memref<1x128x64xf32, #tpu.memory_space<vmem>>
    %dma_wait3A_119 = tpu.memref_squeeze %dma_wait3A_118 : memref<1x128x64xf32, #tpu.memory_space<vmem>> -> memref<128x64xf32, #tpu.memory_space<vmem>>
    %dma_wait3A_120 = arith.constant 0 : i32
    %dma_wait3A_121 = tpu.memref_slice %arg7[%dma_wait3A_115, %dma_wait3A_120] : memref<200x128xi32, #tpu.memory_space<vmem>> -> memref<1x128xi32, #tpu.memory_space<vmem>>
    %dma_wait3A_122 = tpu.memref_squeeze %dma_wait3A_121 : memref<1x128xi32, #tpu.memory_space<vmem>> -> memref<128xi32, #tpu.memory_space<vmem>>
    %dma_wait3A_123 = arith.constant 0 : i32
    %dma_wait3A_124 = arith.constant 0 : i32
    %dma_wait3A_125 = tpu.memref_slice %arg5[%dma_wait3A_123, %dma_wait3A_124] : memref<1835008x64xf32, #tpu.memory_space<hbm>> -> memref<1835008x64xf32, #tpu.memory_space<hbm>>
    tpu.wait_indirect_dma semaphore(%arg18 : memref<!tpu.dma_semaphore, #tpu.memory_space<semaphore_mem>>) src(%dma_wait3A_119 : memref<128x64xf32, #tpu.memory_space<vmem>>) dst(%dma_wait3A_125 : memref<1835008x64xf32, #tpu.memory_space<hbm>>)
    %dma_wait3A_126 = arith.constant 2 : i32
    %dma_wait3A_127 = arith.constant 194 : i32
    %dma_wait3A_128 = arith.constant 0 : i32
    %dma_wait3A_129 = arith.constant 0 : i32
    %dma_wait3A_130 = tpu.memref_slice %arg8[%dma_wait3A_126, %dma_wait3A_128, %dma_wait3A_129] : memref<8x128x64xf32, #tpu.memory_space<vmem>> -> memref<1x128x64xf32, #tpu.memory_space<vmem>>
    %dma_wait3A_131 = tpu.memref_squeeze %dma_wait3A_130 : memref<1x128x64xf32, #tpu.memory_space<vmem>> -> memref<128x64xf32, #tpu.memory_space<vmem>>
    %dma_wait3A_132 = arith.constant 0 : i32
    %dma_wait3A_133 = tpu.memref_slice %arg7[%dma_wait3A_127, %dma_wait3A_132] : memref<200x128xi32, #tpu.memory_space<vmem>> -> memref<1x128xi32, #tpu.memory_space<vmem>>
    %dma_wait3A_134 = tpu.memref_squeeze %dma_wait3A_133 : memref<1x128xi32, #tpu.memory_space<vmem>> -> memref<128xi32, #tpu.memory_space<vmem>>
    %dma_wait3A_135 = arith.constant 0 : i32
    %dma_wait3A_136 = arith.constant 0 : i32
    %dma_wait3A_137 = tpu.memref_slice %arg5[%dma_wait3A_135, %dma_wait3A_136] : memref<1835008x64xf32, #tpu.memory_space<hbm>> -> memref<1835008x64xf32, #tpu.memory_space<hbm>>
    tpu.wait_indirect_dma semaphore(%arg19 : memref<!tpu.dma_semaphore, #tpu.memory_space<semaphore_mem>>) src(%dma_wait3A_131 : memref<128x64xf32, #tpu.memory_space<vmem>>) dst(%dma_wait3A_137 : memref<1835008x64xf32, #tpu.memory_space<hbm>>)
    %dma_wait3A_138 = arith.constant 3 : i32
    %dma_wait3A_139 = arith.constant 195 : i32
    %dma_wait3A_140 = arith.constant 0 : i32
    %dma_wait3A_141 = arith.constant 0 : i32
    %dma_wait3A_142 = tpu.memref_slice %arg8[%dma_wait3A_138, %dma_wait3A_140, %dma_wait3A_141] : memref<8x128x64xf32, #tpu.memory_space<vmem>> -> memref<1x128x64xf32, #tpu.memory_space<vmem>>
    %dma_wait3A_143 = tpu.memref_squeeze %dma_wait3A_142 : memref<1x128x64xf32, #tpu.memory_space<vmem>> -> memref<128x64xf32, #tpu.memory_space<vmem>>
    %dma_wait3A_144 = arith.constant 0 : i32
    %dma_wait3A_145 = tpu.memref_slice %arg7[%dma_wait3A_139, %dma_wait3A_144] : memref<200x128xi32, #tpu.memory_space<vmem>> -> memref<1x128xi32, #tpu.memory_space<vmem>>
    %dma_wait3A_146 = tpu.memref_squeeze %dma_wait3A_145 : memref<1x128xi32, #tpu.memory_space<vmem>> -> memref<128xi32, #tpu.memory_space<vmem>>
    %dma_wait3A_147 = arith.constant 0 : i32
    %dma_wait3A_148 = arith.constant 0 : i32
    %dma_wait3A_149 = tpu.memref_slice %arg5[%dma_wait3A_147, %dma_wait3A_148] : memref<1835008x64xf32, #tpu.memory_space<hbm>> -> memref<1835008x64xf32, #tpu.memory_space<hbm>>
    tpu.wait_indirect_dma semaphore(%arg20 : memref<!tpu.dma_semaphore, #tpu.memory_space<semaphore_mem>>) src(%dma_wait3A_143 : memref<128x64xf32, #tpu.memory_space<vmem>>) dst(%dma_wait3A_149 : memref<1835008x64xf32, #tpu.memory_space<hbm>>)
    %dma_wait3A_150 = arith.constant 4 : i32
    %dma_wait3A_151 = arith.constant 196 : i32
    %dma_wait3A_152 = arith.constant 0 : i32
    %dma_wait3A_153 = arith.constant 0 : i32
    %dma_wait3A_154 = tpu.memref_slice %arg8[%dma_wait3A_150, %dma_wait3A_152, %dma_wait3A_153] : memref<8x128x64xf32, #tpu.memory_space<vmem>> -> memref<1x128x64xf32, #tpu.memory_space<vmem>>
    %dma_wait3A_155 = tpu.memref_squeeze %dma_wait3A_154 : memref<1x128x64xf32, #tpu.memory_space<vmem>> -> memref<128x64xf32, #tpu.memory_space<vmem>>
    %dma_wait3A_156 = arith.constant 0 : i32
    %dma_wait3A_157 = tpu.memref_slice %arg7[%dma_wait3A_151, %dma_wait3A_156] : memref<200x128xi32, #tpu.memory_space<vmem>> -> memref<1x128xi32, #tpu.memory_space<vmem>>
    %dma_wait3A_158 = tpu.memref_squeeze %dma_wait3A_157 : memref<1x128xi32, #tpu.memory_space<vmem>> -> memref<128xi32, #tpu.memory_space<vmem>>
    %dma_wait3A_159 = arith.constant 0 : i32
    %dma_wait3A_160 = arith.constant 0 : i32
    %dma_wait3A_161 = tpu.memref_slice %arg5[%dma_wait3A_159, %dma_wait3A_160] : memref<1835008x64xf32, #tpu.memory_space<hbm>> -> memref<1835008x64xf32, #tpu.memory_space<hbm>>
    tpu.wait_indirect_dma semaphore(%arg21 : memref<!tpu.dma_semaphore, #tpu.memory_space<semaphore_mem>>) src(%dma_wait3A_155 : memref<128x64xf32, #tpu.memory_space<vmem>>) dst(%dma_wait3A_161 : memref<1835008x64xf32, #tpu.memory_space<hbm>>)
    %dma_wait3A_162 = arith.constant 5 : i32
    %dma_wait3A_163 = arith.constant 197 : i32
    %dma_wait3A_164 = arith.constant 0 : i32
    %dma_wait3A_165 = arith.constant 0 : i32
    %dma_wait3A_166 = tpu.memref_slice %arg8[%dma_wait3A_162, %dma_wait3A_164, %dma_wait3A_165] : memref<8x128x64xf32, #tpu.memory_space<vmem>> -> memref<1x128x64xf32, #tpu.memory_space<vmem>>
    %dma_wait3A_167 = tpu.memref_squeeze %dma_wait3A_166 : memref<1x128x64xf32, #tpu.memory_space<vmem>> -> memref<128x64xf32, #tpu.memory_space<vmem>>
    %dma_wait3A_168 = arith.constant 0 : i32
    %dma_wait3A_169 = tpu.memref_slice %arg7[%dma_wait3A_163, %dma_wait3A_168] : memref<200x128xi32, #tpu.memory_space<vmem>> -> memref<1x128xi32, #tpu.memory_space<vmem>>
    %dma_wait3A_170 = tpu.memref_squeeze %dma_wait3A_169 : memref<1x128xi32, #tpu.memory_space<vmem>> -> memref<128xi32, #tpu.memory_space<vmem>>
    %dma_wait3A_171 = arith.constant 0 : i32
    %dma_wait3A_172 = arith.constant 0 : i32
    %dma_wait3A_173 = tpu.memref_slice %arg5[%dma_wait3A_171, %dma_wait3A_172] : memref<1835008x64xf32, #tpu.memory_space<hbm>> -> memref<1835008x64xf32, #tpu.memory_space<hbm>>
    tpu.wait_indirect_dma semaphore(%arg22 : memref<!tpu.dma_semaphore, #tpu.memory_space<semaphore_mem>>) src(%dma_wait3A_167 : memref<128x64xf32, #tpu.memory_space<vmem>>) dst(%dma_wait3A_173 : memref<1835008x64xf32, #tpu.memory_space<hbm>>)
    %dma_wait3A_174 = arith.constant 6 : i32
    %dma_wait3A_175 = arith.constant 198 : i32
    %dma_wait3A_176 = arith.constant 0 : i32
    %dma_wait3A_177 = arith.constant 0 : i32
    %dma_wait3A_178 = tpu.memref_slice %arg8[%dma_wait3A_174, %dma_wait3A_176, %dma_wait3A_177] : memref<8x128x64xf32, #tpu.memory_space<vmem>> -> memref<1x128x64xf32, #tpu.memory_space<vmem>>
    %dma_wait3A_179 = tpu.memref_squeeze %dma_wait3A_178 : memref<1x128x64xf32, #tpu.memory_space<vmem>> -> memref<128x64xf32, #tpu.memory_space<vmem>>
    %dma_wait3A_180 = arith.constant 0 : i32
    %dma_wait3A_181 = tpu.memref_slice %arg7[%dma_wait3A_175, %dma_wait3A_180] : memref<200x128xi32, #tpu.memory_space<vmem>> -> memref<1x128xi32, #tpu.memory_space<vmem>>
    %dma_wait3A_182 = tpu.memref_squeeze %dma_wait3A_181 : memref<1x128xi32, #tpu.memory_space<vmem>> -> memref<128xi32, #tpu.memory_space<vmem>>
    %dma_wait3A_183 = arith.constant 0 : i32
    %dma_wait3A_184 = arith.constant 0 : i32
    %dma_wait3A_185 = tpu.memref_slice %arg5[%dma_wait3A_183, %dma_wait3A_184] : memref<1835008x64xf32, #tpu.memory_space<hbm>> -> memref<1835008x64xf32, #tpu.memory_space<hbm>>
    tpu.wait_indirect_dma semaphore(%arg23 : memref<!tpu.dma_semaphore, #tpu.memory_space<semaphore_mem>>) src(%dma_wait3A_179 : memref<128x64xf32, #tpu.memory_space<vmem>>) dst(%dma_wait3A_185 : memref<1835008x64xf32, #tpu.memory_space<hbm>>)
    %dma_wait3A_186 = arith.constant 7 : i32
    %dma_wait3A_187 = arith.constant 199 : i32
    %dma_wait3A_188 = arith.constant 0 : i32
    %dma_wait3A_189 = arith.constant 0 : i32
    %dma_wait3A_190 = tpu.memref_slice %arg8[%dma_wait3A_186, %dma_wait3A_188, %dma_wait3A_189] : memref<8x128x64xf32, #tpu.memory_space<vmem>> -> memref<1x128x64xf32, #tpu.memory_space<vmem>>
    %dma_wait3A_191 = tpu.memref_squeeze %dma_wait3A_190 : memref<1x128x64xf32, #tpu.memory_space<vmem>> -> memref<128x64xf32, #tpu.memory_space<vmem>>
    %dma_wait3A_192 = arith.constant 0 : i32
    %dma_wait3A_193 = tpu.memref_slice %arg7[%dma_wait3A_187, %dma_wait3A_192] : memref<200x128xi32, #tpu.memory_space<vmem>> -> memref<1x128xi32, #tpu.memory_space<vmem>>
    %dma_wait3A_194 = tpu.memref_squeeze %dma_wait3A_193 : memref<1x128xi32, #tpu.memory_space<vmem>> -> memref<128xi32, #tpu.memory_space<vmem>>
    %dma_wait3A_195 = arith.constant 0 : i32
    %dma_wait3A_196 = arith.constant 0 : i32
    %dma_wait3A_197 = tpu.memref_slice %arg5[%dma_wait3A_195, %dma_wait3A_196] : memref<1835008x64xf32, #tpu.memory_space<hbm>> -> memref<1835008x64xf32, #tpu.memory_space<hbm>>
    tpu.wait_indirect_dma semaphore(%arg24 : memref<!tpu.dma_semaphore, #tpu.memory_space<semaphore_mem>>) src(%dma_wait3A_191 : memref<128x64xf32, #tpu.memory_space<vmem>>) dst(%dma_wait3A_197 : memref<1835008x64xf32, #tpu.memory_space<hbm>>)
    return
  }
}

</mosaic_0001>

<sc_bundles>
// kernel: kernel.3.cloned.1.call-start
scs
__scs_entry_jumppad:
0x0: {  	(pc) =	sbr.rel $0x88, $3  }
0x1: {  	(tag) =	ssettag $0x0;
	lr =	simm.s32 $0x1  }
0x2: {  	[smem:$0x3F9F] =	sst lr;
	_ =	strace $0xD0000000  }
0x3: {  	_ = 	snop  }
0x4: {  	_ = 	snop  }
0x5: {  	_ = 	snop  }
0x6: {  	_ = 	snop  }
0x7: {  	_ = 	snop  }
__scs_overlays_trampoline_lowered:
0x8: {  	[smem:$0x3FAE] =	sst s0  }
0x9: {  	[smem:$0x3FAF] =	sst s1  }
0xa: {  	[smem:$0x3FB0] =	sst s2  }
0xb: {  	[smem:$0x3FB1] =	sst s3  }
0xc: {  	[smem:$0x3FB2] =	sst s4  }
0xd: {  	[smem:$0x3FB3] =	sst s5  }
0xe: {  	[smem:$0x3FB4] =	sst s6  }
0xf: {  	[smem:$0x3FB5] =	sst s7  }
0x10: {  	[smem:$0x3FB6] =	sst s8  }
0x11: {  	[smem:$0x3FB7] =	sst s9;
	s0 =	simm.s32 @!p0 $0x0  }
0x12: {  	s1 =	sld [smem:$0x3F9D];
	s0 =	simm.s32 @p0 $0x1  }
0x13: {  	[smem:$0x3FB8] =	sst s0;
	s0 =	simm.s32 @!p1 $0x0  }
0x14: {  	s2 =	sld [smem:$0x3F9C];
	s0 =	simm.s32 @p1 $0x1  }
0x15: {  	[smem:$0x3FB9] =	sst s0;
	s0 =	simm.s32 @!p2 $0x0  }
0x16: {  	s3 =	sld [smem:$0x3FDB];
	s0 =	simm.s32 @p2 $0x1  }
0x17: {  	s4 =	simm.s32 $0x1BF5;
	[smem:$0x3FBB] =	sst s0  }
0x18: {  	s0 =	sld [smem:$0x3F9E];
	_ =	swait.ge [sflag:s4], $0x0  }
0x19: {  	s7 =	sld [smem:$0x3F9F]  }
0x1a: {  	s8 =	sadd.s32 $0xFFFFE003, lr  }
0x1b: {  	s9 =	sadd.s32 $0xFFFFFEF7, lr;
	s5 =	simm.s32 $0xFFFFFFFF;
	p2 =	slt.u32 s8, $0xFFFFF086  }
0x1c: {  	p1 =	slt.u32 s9, $0xF7A;
	s5 =	simm.s32 @!p2 $0x0  }
0x1d: {  	s5 =	simm.s32 @p1 $0x1;
	p0 =	seq.s32 s7, s2  }
0x1e: {  	s7 =	smul.u32 @!p0 $0xF7A, s2;
	p2 =	seq.s32 @!p0 s5, $0x0  }
0x1f: {  	s9 =	smul.u32 $0xF7A, s1;
	s8 =	simm.s32 @!p0 $0x1BF5;
	p2 =	por !p2, p0  }
0x20: {  	[sflag:s8] =	ssyncset.s32 @!p0 $0xFFFFF086;
	s6 =	sadd.s32 @!p0 s3, s7;
	s7 =	simm.s32 @!p0 $0x108  }
0x21: {  	s3 =	sadd.s32 s3, s9;
	s6 =	sadd.s32 @!p0 $0x88, s6;
	s7 =	simm.s32 @p2 $0x1082  }
0x22: {  	[simem:s7], [sflag:s8] =	dma.local @!p0 [hbm:s6], $0xF7A  }
0x23: {  	s9 =	sor.u32 $0xD0000000, s2;
	s6 =	simm.s32 $0x108;
	_ =	swait.ge @!p0 [sflag:s8], $0x0  }
0x24: {  	s3 =	sadd.s32 $0x88, s3;
	s6 =	simm.s32 @!p1 $0x1082;
	[sflag:s4] =	ssyncset.s32 $0xFFFFF086  }
0x25: {  	[simem:s6], [sflag:s4] =	dma.local [hbm:s3], $0xF7A  }
0x26: {  	[smem:$0x3F9F] =	sst s1;
	(tag) =	ssettag s2;
	_ =	strace s9  }
0x27: {  	s1 =	sld [smem:$0x3FAF]  }
0x28: {  	s2 =	sld [smem:$0x3FB0]  }
0x29: {  	s4 =	sld [smem:$0x3FB2]  }
0x2a: {  	p0 =	seq.s32 s5, $0x0;
	s5 =	sld [smem:$0x3FB3]  }
0x2b: {  	s6 =	sld [smem:$0x3FB4]  }
0x2c: {  	s7 =	sld [smem:$0x3FB5]  }
0x2d: {  	s3 =	simm.s32 $0x108;
	s8 =	sld [smem:$0x3FB6]  }
0x2e: {  	s3 =	simm.s32 @!p0 $0x1082;
	s9 =	sld [smem:$0x3FB7]  }
0x2f: {  	lr =	sadd.s32 s0, s3;
	s0 =	sld [smem:$0x3FAE]  }
0x30: {  	s3 =	sld [smem:$0x3FB1]  }
0x31: {  	[smem:$0x3FBA] =	sst s10  }
0x32: {  	s10 =	sld [smem:$0x3FB8];
	_ =	sdelay $0x3  }
0x33: {  	p0 =	seq.s32 s10, $0x1;
	s10 =	sld [smem:$0x3FBA];
	_ =	sdelay $0x3  }
0x34: {  	[smem:$0x3FBA] =	sst s10  }
0x35: {  	s10 =	sld [smem:$0x3FB9];
	_ =	sdelay $0x3  }
0x36: {  	p1 =	seq.s32 s10, $0x1;
	s10 =	sld [smem:$0x3FBA];
	_ =	sdelay $0x3  }
0x37: {  	[smem:$0x3FBA] =	sst s10  }
0x38: {  	s10 =	sld [smem:$0x3FBB]  }
0x39: {  	_ = 	snop;
	(pc) =	sbr.ind lr, $3  }
0x3a: {  	_ = 	snop  }
0x3b: {  	_ = 	snop  }
0x3c: {  	p2 =	seq.s32 s10, $0x1;
	s10 =	sld [smem:$0x3FBA]  }
0x3d: {  	_ =	shalt  }
0x3e: {  	_ =	shalt  }
0x3f: {  	_ =	shalt  }
0x40: {  	_ =	shalt  }
0x41: {  	_ =	shalt  }
0x42: {  	_ =	shalt  }
0x43: {  	_ =	shalt  }
0x44: {  	_ =	shalt  }
0x45: {  	_ =	shalt  }
0x46: {  	_ =	shalt  }
0x47: {  	_ =	shalt  }
0x48: {  	_ =	shalt  }
0x49: {  	_ =	shalt  }
0x4a: {  	_ =	shalt  }
0x4b: {  	_ =	shalt  }
0x4c: {  	_ =	shalt  }
0x4d: {  	_ =	shalt  }
0x4e: {  	_ =	shalt  }
0x4f: {  	_ =	shalt  }
0x50: {  	_ =	shalt  }
0x51: {  	_ =	shalt  }
0x52: {  	_ =	shalt  }
0x53: {  	_ =	shalt  }
0x54: {  	_ =	shalt  }
0x55: {  	_ =	shalt  }
0x56: {  	_ =	shalt  }
0x57: {  	_ =	shalt  }
0x58: {  	_ =	shalt  }
0x59: {  	_ =	shalt  }
0x5a: {  	_ =	shalt  }
0x5b: {  	_ =	shalt  }
0x5c: {  	_ =	shalt  }
0x5d: {  	_ =	shalt  }
0x5e: {  	_ =	shalt  }
0x5f: {  	_ =	shalt  }
0x60: {  	_ =	shalt  }
0x61: {  	_ =	shalt  }
0x62: {  	_ =	shalt  }
0x63: {  	_ =	shalt  }
0x64: {  	_ =	shalt  }
0x65: {  	_ =	shalt  }
0x66: {  	_ =	shalt  }
0x67: {  	_ =	shalt  }
0x68: {  	_ =	shalt  }
0x69: {  	_ =	shalt  }
0x6a: {  	_ =	shalt  }
0x6b: {  	_ =	shalt  }
0x6c: {  	_ =	shalt  }
0x6d: {  	_ =	shalt  }
0x6e: {  	_ =	shalt  }
0x6f: {  	_ =	shalt  }
0x70: {  	_ =	shalt  }
0x71: {  	_ =	shalt  }
0x72: {  	_ =	shalt  }
0x73: {  	_ =	shalt  }
0x74: {  	_ =	shalt  }
0x75: {  	_ =	shalt  }
0x76: {  	_ =	shalt  }
0x77: {  	_ =	shalt  }
0x78: {  	_ =	shalt  }
0x79: {  	_ =	shalt  }
0x7a: {  	_ =	shalt  }
0x7b: {  	_ =	shalt  }
0x7c: {  	_ =	shalt  }
0x7d: {  	_ =	shalt  }
0x7e: {  	_ =	shalt  }
0x7f: {  	_ =	shalt  }
0x80: {  	_ =	shalt  }
0x81: {  	_ =	shalt  }
0x82: {  	_ =	shalt  }
0x83: {  	_ =	shalt  }
0x84: {  	_ =	shalt  }
0x85: {  	_ =	shalt  }
0x86: {  	_ =	shalt  }
0x87: {  	_ =	shalt  }
.Lfunc_end0:
.L_simem_size_0:
called_computation.1_lowered:
.L_overlay_start_0:
0x88: {  	s2 =	sld [smem:$0x3FD9]  }
0x89: {  	s3 =	sld [smem:$0x3FFE];
	_ =	sdelay $0x1  }
0x8a: {  	s1 =	srdreg.scid  }
0x8b: {  	s0 =	sand.u32 $0x1, s1  }
0x8c: {  	s17 =	sshll.u32 s0, $0xA;
	s2 =	sadd.s32 s3, s2  }
0x8d: {  	s2 =	sadd.s32 s2, s17  }
0x8e: {  	[smem:$0x3FC6] =	sst s2  }
0x8f: {  	_ = 	snop  }
0x90: {  	s2 =	sld [smem:$0x3FD0];
	(tm) =	ssettm $0x1  }
0x91: {  	s18 =	sld [smem:$0x3FFB];
	_ =	sdelay $0x3  }
0x92: {  	_ =	strace s18  }
0x93: {  	s3 =	sld [smem:$0x3FFC];
	_ =	sdelay $0x3  }
0x94: {  	_ =	strace s3  }
0x95: {  	s3 =	sld [smem:$0x3FFD];
	_ =	sdelay $0x3  }
0x96: {  	_ =	strace s3  }
0x97: {  	_ =	strace $0x8FFFFFFF  }
0x98: {  	s19 =	sld [smem:$0x3FDB];
	_ =	sdelay $0x1  }
0x99: {  	s4 =	simm.s32 $_scs_section_size  }
0x9a: {  	s5 =	simm.s32 $_size__tile_overlayer_lowered;
	s6 =	simm.s32 $_tile_overlayer_lowered  }
0x9b: {  	s22 =	simm.s32 $0x1BFF;
	s21 =	sshll.u32 s6, $0x1;
	s3 =	sadd.s32 s4, s19  }
0x9c: {  	s7 =	simm.s32 $0x0;
	s20 =	sshll.u32 s5, $0x1;
	s5 =	sadd.s32 s21, s3  }
0x9d: {  	[timem:s7], [sflag:s22] =	dma.local [hbm:s5], s20  }
0x9e: {  	_ =	swait.ge [sflag:s22], s20  }
0x9f: {  	s4 =	ssub.s32 $0x0, s20;
	[sflag:s22] =	ssyncset.done $0x0  }
0xa0: {  	[sflag:s22] =	ssyncadd.s32 s4;
	_ =	sdelay $0x1  }
0xa1: {  	s23 =	simm.s32 $0x1B8B  }
0xa2: {  	_ =	swait.ge [sflag:s23], $0x1  }
0xa3: {  	[sflag:s23] =	ssyncset.done $0x0  }
0xa4: {  	s25 =	simm.s32 $0x1B8E;
	s24 =	sld [smem:$0x3FFE];
	[sflag:s23] =	ssyncadd.s32 $0xFFFFFFFF  }
0xa5: {  	s26 =	simm.s32 $execute0_lowered;
	[smem:$0x3FD2] =	sst s25  }
0xa6: {  	s5 =	sshll.u32 s26, $0x1;
	_ =	strace $0x80000046;
	[dreg:$0x1] =	wrdreg $0xFFFFFFFF  }
0xa7: {  	s28 =	simm.s32 $_size_execute0_lowered;
	s3 =	sadd.s32 s3, s5;
	[dreg:$0x0] =	wrdreg $0x0  }
0xa8: {  	s5 =	sshll.u32 s28, $0x1;
	[dreg:$0x2] =	wrdreg s3  }
0xa9: {  	[dreg:$0x3] =	wrdreg s5  }
0xaa: {  	[dreg:$0x4] =	wrdreg $0xC0  }
0xab: {  	_ =	task [dreg:s7], $0x5FFFF  }
0xac: {  	[dreg:$0x1] =	wrdreg $0xFFFFFFFF  }
0xad: {  	[dreg:$0x0] =	wrdreg $0x60  }
0xae: {  	[dreg:$0x2] =	wrdreg s24  }
0xaf: {  	[dreg:$0x3] =	wrdreg s2  }
0xb0: {  	[dreg:$0x4] =	wrdreg $0x9  }
0xb1: {  	_ =	task.clear_ibuf [dreg:s7], $0x5FFFF;
	_ =	strace $0x90000046  }
0xb2: {  	s29 =	simm.s32 $0x9;
	_ =	strace $0x80000048  }
0xb3: {  	_ =	swait.ge [sflag:s29], $0x1  }
0xb4: {  	[sflag:s29] =	ssyncadd.s32 $0xFFFFFFFF  }
0xb5: {  	_ =	strace $0x90000048  }
0xb6: {  	_ =	sfence  }
0xb7: {  	s30 =	sld [smem:$0x0];
	_ =	sdelay $0x2  }
0xb8: {  	s31 =	sshll.u32 s1, $0xD;
	s1 =	sshrl.u32 s1, $0x2  }
0xb9: {  	s3 =	sand.u32 $0x4000, s31;
	s1 =	sadd.s32 s1, s30  }
0xba: {  	s0 =	sor.u32 s3, s0;
	s1 =	sshll.u32 s1, $0x11  }
0xbb: {  	s0 =	sor.u32 s1, s0  }
0xbc: {  	s0 =	sadd.s32 $0x8F2B, s0  }
0xbd: {  	[sflag:s0] =	ssyncadd.remote.s32 $0x1  }
0xbe: {  	_ =	sfence.sel $0xFFFF  }
0xbf: {  	[dreg:$0x0] =	wrdreg $0xFFFFFFFF;
	(pc) =	sbr.abs _section_cstart, $3  }
0xc0: {  	[dreg:$0x1] =	wrdreg $0xFFFFFFFF  }
0xc1: {  	_ =	task.clear_ibuf [dreg:s7], $0x2FFFF;
	_ =	strace $0x9FFFFFFF  }
0xc2: {  	(tm) =	ssettm $0x7FFFFFFF  }
0xc3: {  	_ =	shalt  }
tec
execute0_lowered:
.L_overlay_start_1:
0x0: {  	(tag) =	ssettag $0x1  }
0x1: {  	s0 =	rddreg [dreg:$0x0]  }
0x2: {  	s1 =	srdreg.scid;
	s2 =	stileid.u32  }
0x3: {  	s5 =	rddreg [dreg:$0x1];
	s23 =	simm.s32 $0x0;
	s10 =	simm.s32 $0x80  }
0x4: {  	s11 =	simm.s32 $0xC800;
	s14 =	simm.s32 $0x10800;
	s18 =	simm.s32 $0x14800  }
0x5: {  	s22 =	simm.s32 $0x18800;
	s28 =	simm.s32 $0x5;
	s29 =	simm.s32 $0x7  }
0x6: {  	s30 =	simm.s32 $0x8;
	s31 =	simm.s32 $0x9;
	s9 =	simm.s32 $0xC  }
0x7: {  	s12 =	simm.s32 $0xD;
	s13 =	simm.s32 $0xE;
	s15 =	simm.s32 $0xF  }
0x8: {  	s16 =	simm.s32 $0x10;
	s17 =	simm.s32 $0x0;
	s1 =	sand.u32 $0x1, s1  }
0x9: {  	s3 =	sshll.u32 s2, $0x1;
	[smem:$0x7FF] =	sst s23;
	s4 =	sadd.s32 $0x19A00, s0  }
0xa: {  	s3 =	sor.u32 s1, s3;
	_ =	strace $0x80000047;
	s1 =	ssub.s32 $0x2, s1  }
0xb: {  	s6 =	smul.u32 $0xC80, s3;
	s3 =	sadd.s32 $0xF5BE00, s0;
	s8 =	sshrl.u32 s1, $0x1  }
.Ltmp0:
0xc: {  	s24 =	ssub.s32 s1, s8;
	s8 =	simm.s32 $0x11;
	(pc) =	sbr.rel .LBB2_1-.Ltmp0, $4  }
0xd: {  	s1 =	simm.s32 $0xA;
	s7 =	sadd.s32 s6, s0;
	s25 =	sadd.s32 s5, s6  }
0xe: {  	s0 =	smax.u32 s24, $0x1;
	s24 =	simm.s32 $0x1A800;
	[dreg:$0x3] =	wrdreg s25  }
0xf: {  	s26 =	sadd.s32 $0xA00, s7;
	[dreg:$0x5] =	wrdreg s0;
	s25 =	simm.s32 $0x1  }
0x10: {  	s0 =	simm.s32 $0xB;
	[dreg:$0x4] =	wrdreg s26;
	s26 =	simm.s32 $0x3  }
.LBB2_4:
0x11: {  	_ =	swait.ge [sflag:s30], $0x2000  }
0x12: {  	[sflag:s30] =	ssyncset.done $0x0  }
0x13: {  	[sflag:s30] =	ssyncadd.s32 $0xFFFFE000  }
0x14: {  	[hbm4b:s4+s10] =	stream.indirect.scatter [tilespmem:s24], [sflag:$0x10], $0x40, s5, s10, $0xb8;
	[tilespmem:$0x1C800] =	vst v63  }
0x15: {  	_ =	swait.ge [sflag:s31], $0x2000  }
0x16: {  	[sflag:s31] =	ssyncset.done $0x0  }
0x17: {  	[sflag:s31] =	ssyncadd.s32 $0xFFFFE000  }
0x18: {  	_ =	swait.ge [sflag:s1], $0x2000  }
0x19: {  	[sflag:s1] =	ssyncset.done $0x0  }
0x1a: {  	[sflag:s1] =	ssyncadd.s32 $0xFFFFE000  }
0x1b: {  	_ =	swait.ge [sflag:s0], $0x2000  }
0x1c: {  	[sflag:s0] =	ssyncset.done $0x0  }
0x1d: {  	[sflag:s0] =	ssyncadd.s32 $0xFFFFE000  }
0x1e: {  	_ =	swait.ge [sflag:s9], $0x2000  }
0x1f: {  	[sflag:s9] =	ssyncset.done $0x0  }
0x20: {  	[sflag:s9] =	ssyncadd.s32 $0xFFFFE000  }
0x21: {  	_ =	swait.ge [sflag:s12], $0x2000  }
0x22: {  	[sflag:s12] =	ssyncset.done $0x0  }
0x23: {  	[sflag:s12] =	ssyncadd.s32 $0xFFFFE000  }
0x24: {  	_ =	swait.ge [sflag:s13], $0x2000  }
0x25: {  	[sflag:s13] =	ssyncset.done $0x0  }
0x26: {  	[sflag:s13] =	ssyncadd.s32 $0xFFFFE000  }
0x27: {  	_ =	swait.ge [sflag:s15], $0x2000  }
0x28: {  	[sflag:s15] =	ssyncset.done $0x0  }
0x29: {  	[sflag:s15] =	ssyncadd.s32 $0xFFFFE000  }
0x2a: {  	_ =	swait.ge [sflag:s16], $0x2000  }
0x2b: {  	s17 =	sadd.s32 $0x1, s17;
	s2 =	rddreg [dreg:$0x5]  }
0x2c: {  	p0 =	sne.s32 s17, s2  }
.Ltmp1:
0x2d: {  	_ = 	snop;
	(pc) =	sbr.rel @!p0 .LBB2_5-.Ltmp1, $3  }
0x2e: {  	_ =	sdelay $0x1  }
0x2f: {  	[sflag:s16] =	ssyncset.done $0x0  }
0x30: {  	[sflag:s16] =	ssyncadd.s32 $0xFFFFE000  }
.LBB2_1:
0x31: {  	s2 =	simm.s32 $0x0;
	s5 =	rddreg [dreg:$0x3]  }
0x32: {  	[tilespmem:s2], [sflag:$0x11] =	stream.linear.gather [hbm4b:s5+s2], $0x6400, $0x38;
	[tilespmem:$0x1C800] =	vst v63  }
0x33: {  	_ =	swait.ge [sflag:s8], $0x6400  }
0x34: {  	[sflag:s8] =	ssyncset.done $0x0  }
0x35: {  	s6 =	simm.s32 $0x6400;
	s20 =	rddreg [dreg:$0x4];
	[sflag:s8] =	ssyncadd.s32 $0xFFFF9C00  }
0x36: {  	[tilespmem:s6], [sflag:$0x11] =	stream.linear.gather [hbm4b:s20+s2], $0x6400, $0x38;
	[tilespmem:$0x1C800] =	vst v63  }
0x37: {  	_ =	swait.ge [sflag:s8], $0x6400  }
0x38: {  	[sflag:s8] =	ssyncset.done $0x0  }
0x39: {  	[sflag:s8] =	ssyncadd.s32 $0xFFFF9C00  }
0x3a: {  	[tilespmem:s11], [sflag:$0x1] =	stream.indirect.gather [hbm4b:s3+s10], $0x40, s2, s10, $0xb8;
	[tilespmem:$0x1C800] =	vst v63  }
0x3b: {  	s21 =	simm.s32 $0xE800  }
0x3c: {  	[tilespmem:s21], [sflag:$0x2] =	stream.indirect.gather [hbm4b:s3+s10], $0x40, s10, s10, $0xb8;
	[tilespmem:$0x1C800] =	vst v63  }
0x3d: {  	s23 =	simm.s32 $0x100  }
0x3e: {  	[tilespmem:s14], [sflag:$0x3] =	stream.indirect.gather [hbm4b:s3+s10], $0x40, s23, s10, $0xb8;
	[tilespmem:$0x1C800] =	vst v63  }
0x3f: {  	s5 =	simm.s32 $0x180;
	s6 =	simm.s32 $0x12800  }
0x40: {  	[tilespmem:s6], [sflag:$0x4] =	stream.indirect.gather [hbm4b:s3+s10], $0x40, s5, s10, $0xb8;
	[tilespmem:$0x1C800] =	vst v63  }
0x41: {  	s7 =	simm.s32 $0x200  }
0x42: {  	[tilespmem:s18], [sflag:$0x5] =	stream.indirect.gather [hbm4b:s3+s10], $0x40, s7, s10, $0xb8;
	[tilespmem:$0x1C800] =	vst v63  }
0x43: {  	s19 =	simm.s32 $0x280;
	s20 =	simm.s32 $0x16800  }
0x44: {  	[tilespmem:s20], [sflag:$0x6] =	stream.indirect.gather [hbm4b:s3+s10], $0x40, s19, s10, $0xb8;
	[tilespmem:$0x1C800] =	vst v63  }
0x45: {  	s21 =	simm.s32 $0x300  }
0x46: {  	[tilespmem:s22], [sflag:$0x7] =	stream.indirect.gather [hbm4b:s3+s10], $0x40, s21, s10, $0xb8;
	[tilespmem:$0x1C800] =	vst v63  }
0x47: {  	s23 =	simm.s32 $0x380;
	s19 =	simm.s32 $0x0  }
0x48: {  	[tilespmem:s24], [sflag:$0x8] =	stream.indirect.gather [hbm4b:s3+s10], $0x40, s23, s10, $0xb8;
	[tilespmem:$0x1C800] =	vst v63  }
.LBB2_2:
0x49: {  	_ =	swait.ge [sflag:s25], $0x2000  }
0x4a: {  	s20 =	sshra.s32 s19, $0x2;
	[sflag:s25] =	ssyncset.done $0x0  }
0x4b: {  	p0 =	seq.s32 s19, $0x18000;
	s5 =	sadd.s32 $0x6400, s20;
	[sflag:s25] =	ssyncadd.s32 $0xFFFFE000  }
0x4c: {  	[hbm4b:s4+s10] =	stream.indirect.scatter [tilespmem:s11], [sflag:$0x9], $0x40, s5, s10, $0xb8;
	[tilespmem:$0x1C800] =	vst v63  }
0x4d: {  	s5 =	simm.s32 @p0 $0x2  }
0x4e: {  	_ =	swait.ge @p0 [sflag:s5], $0x2000  }
0x4f: {  	[sflag:s5] =	ssyncset.done @p0 $0x0  }
0x50: {  	[sflag:s5] =	ssyncadd.s32 @p0 $0xFFFFE000;
	s5 =	sshra.s32 @p0 s19, $0x2  }
0x51: {  	s6 =	simm.s32 @p0 $0x80;
	s23 =	simm.s32 @p0 $0xE800;
	s21 =	sadd.s32 @p0 $0x6480, s5  }
0x52: {  	[hbm4b:s4+s6] =	stream.indirect.scatter @p0 [tilespmem:s23], [sflag:$0xA], $0x40, s21, s6, $0xb8;
	[tilespmem:$0x1C800] =	vst v63  }
0x53: {  	s21 =	simm.s32 @!p0 $0x9  }
0x54: {  	_ =	swait.ge @!p0 [sflag:s21], $0x2000  }
0x55: {  	[sflag:s21] =	ssyncset.done @!p0 $0x0  }
0x56: {  	[sflag:s21] =	ssyncadd.s32 @!p0 $0xFFFFE000;
	s21 =	sshra.s32 @!p0 s19, $0x2  }
0x57: {  	s2 =	simm.s32 @!p0 $0xC800;
	s23 =	simm.s32 @!p0 $0x80;
	s7 =	sadd.s32 @!p0 $0x400, s21  }
0x58: {  	[tilespmem:s2], [sflag:$0x1] =	stream.indirect.gather @!p0 [hbm4b:s3+s23], $0x40, s7, s23, $0xb8;
	[tilespmem:$0x1C800] =	vst v63  }
0x59: {  	s2 =	simm.s32 @!p0 $0x2  }
0x5a: {  	_ =	swait.ge @!p0 [sflag:s2], $0x2000  }
0x5b: {  	[sflag:s2] =	ssyncset.done @!p0 $0x0  }
0x5c: {  	s7 =	simm.s32 @!p0 $0xE800;
	[sflag:s2] =	ssyncadd.s32 @!p0 $0xFFFFE000;
	s2 =	sadd.s32 @!p0 $0x6480, s21  }
0x5d: {  	[hbm4b:s4+s23] =	stream.indirect.scatter @!p0 [tilespmem:s7], [sflag:$0xA], $0x40, s2, s23, $0xb8;
	[tilespmem:$0x1C800] =	vst v63  }
0x5e: {  	s2 =	simm.s32 @!p0 $0xA  }
0x5f: {  	_ =	swait.ge @!p0 [sflag:s2], $0x2000  }
0x60: {  	[sflag:s2] =	ssyncset.done @!p0 $0x0  }
0x61: {  	[sflag:s2] =	ssyncadd.s32 @!p0 $0xFFFFE000;
	s2 =	sadd.s32 @!p0 $0x480, s21  }
0x62: {  	[tilespmem:s7], [sflag:$0x2] =	stream.indirect.gather @!p0 [hbm4b:s3+s23], $0x40, s2, s23, $0xb8;
	[tilespmem:$0x1C800] =	vst v63  }
0x63: {  	_ =	swait.ge [sflag:s26], $0x2000  }
0x64: {  	[sflag:s26] =	ssyncset.done $0x0  }
0x65: {  	s7 =	sadd.s32 $0x6500, s20;
	s2 =	simm.s32 @p0 $0x4;
	[sflag:s26] =	ssyncadd.s32 $0xFFFFE000  }
0x66: {  	[hbm4b:s4+s10] =	stream.indirect.scatter [tilespmem:s14], [sflag:$0xB], $0x40, s7, s10, $0xb8;
	[tilespmem:$0x1C800] =	vst v63  }
0x67: {  	_ =	swait.ge @p0 [sflag:s2], $0x2000  }
0x68: {  	[sflag:s2] =	ssyncset.done @p0 $0x0  }
0x69: {  	s7 =	simm.s32 @p0 $0x12800;
	[sflag:s2] =	ssyncadd.s32 @p0 $0xFFFFE000;
	s2 =	sadd.s32 @p0 $0x6580, s5  }
0x6a: {  	[hbm4b:s4+s6] =	stream.indirect.scatter @p0 [tilespmem:s7], [sflag:$0xC], $0x40, s2, s6, $0xb8;
	[tilespmem:$0x1C800] =	vst v63  }
0x6b: {  	s2 =	simm.s32 @!p0 $0xB  }
0x6c: {  	_ =	swait.ge @!p0 [sflag:s2], $0x2000  }
0x6d: {  	[sflag:s2] =	ssyncset.done @!p0 $0x0  }
0x6e: {  	s7 =	simm.s32 @!p0 $0x10800;
	[sflag:s2] =	ssyncadd.s32 @!p0 $0xFFFFE000;
	s2 =	sadd.s32 @!p0 $0x500, s21  }
0x6f: {  	[tilespmem:s7], [sflag:$0x3] =	stream.indirect.gather @!p0 [hbm4b:s3+s23], $0x40, s2, s23, $0xb8;
	[tilespmem:$0x1C800] =	vst v63  }
0x70: {  	s2 =	simm.s32 @!p0 $0x4  }
0x71: {  	_ =	swait.ge @!p0 [sflag:s2], $0x2000  }
0x72: {  	[sflag:s2] =	ssyncset.done @!p0 $0x0  }
0x73: {  	s7 =	simm.s32 @!p0 $0x12800;
	[sflag:s2] =	ssyncadd.s32 @!p0 $0xFFFFE000;
	s2 =	sadd.s32 @!p0 $0x6580, s21  }
0x74: {  	[hbm4b:s4+s23] =	stream.indirect.scatter @!p0 [tilespmem:s7], [sflag:$0xC], $0x40, s2, s23, $0xb8;
	[tilespmem:$0x1C800] =	vst v63  }
0x75: {  	s2 =	simm.s32 @!p0 $0xC  }
0x76: {  	_ =	swait.ge @!p0 [sflag:s2], $0x2000  }
0x77: {  	[sflag:s2] =	ssyncset.done @!p0 $0x0  }
0x78: {  	[sflag:s2] =	ssyncadd.s32 @!p0 $0xFFFFE000;
	s2 =	sadd.s32 @!p0 $0x580, s21  }
0x79: {  	[tilespmem:s7], [sflag:$0x4] =	stream.indirect.gather @!p0 [hbm4b:s3+s23], $0x40, s2, s23, $0xb8;
	[tilespmem:$0x1C800] =	vst v63  }
0x7a: {  	_ =	swait.ge [sflag:s28], $0x2000  }
0x7b: {  	[sflag:s28] =	ssyncset.done $0x0  }
0x7c: {  	s7 =	sadd.s32 $0x6600, s20;
	s2 =	simm.s32 @p0 $0x6;
	[sflag:s28] =	ssyncadd.s32 $0xFFFFE000  }
0x7d: {  	[hbm4b:s4+s10] =	stream.indirect.scatter [tilespmem:s18], [sflag:$0xD], $0x40, s7, s10, $0xb8;
	[tilespmem:$0x1C800] =	vst v63  }
0x7e: {  	_ =	swait.ge @p0 [sflag:s2], $0x2000  }
0x7f: {  	[sflag:s2] =	ssyncset.done @p0 $0x0  }
0x80: {  	[sflag:s2] =	ssyncadd.s32 @p0 $0xFFFFE000;
	s2 =	sadd.s32 @p0 $0x6680, s5;
	s5 =	simm.s32 @p0 $0x16800  }
0x81: {  	[hbm4b:s4+s6] =	stream.indirect.scatter @p0 [tilespmem:s5], [sflag:$0xE], $0x40, s2, s6, $0xb8;
	[tilespmem:$0x1C800] =	vst v63  }
0x82: {  	s2 =	simm.s32 @!p0 $0xD  }
0x83: {  	_ =	swait.ge @!p0 [sflag:s2], $0x2000  }
0x84: {  	[sflag:s2] =	ssyncset.done @!p0 $0x0  }
0x85: {  	s5 =	simm.s32 @!p0 $0x14800;
	[sflag:s2] =	ssyncadd.s32 @!p0 $0xFFFFE000;
	s2 =	sadd.s32 @!p0 $0x600, s21  }
0x86: {  	[tilespmem:s5], [sflag:$0x5] =	stream.indirect.gather @!p0 [hbm4b:s3+s23], $0x40, s2, s23, $0xb8;
	[tilespmem:$0x1C800] =	vst v63  }
0x87: {  	s2 =	simm.s32 @!p0 $0x6  }
0x88: {  	_ =	swait.ge @!p0 [sflag:s2], $0x2000  }
0x89: {  	[sflag:s2] =	ssyncset.done @!p0 $0x0  }
0x8a: {  	s5 =	simm.s32 @!p0 $0x16800;
	[sflag:s2] =	ssyncadd.s32 @!p0 $0xFFFFE000;
	s2 =	sadd.s32 @!p0 $0x6680, s21  }
0x8b: {  	[hbm4b:s4+s23] =	stream.indirect.scatter @!p0 [tilespmem:s5], [sflag:$0xE], $0x40, s2, s23, $0xb8;
	[tilespmem:$0x1C800] =	vst v63  }
0x8c: {  	s2 =	simm.s32 @!p0 $0xE  }
0x8d: {  	_ =	swait.ge @!p0 [sflag:s2], $0x2000  }
0x8e: {  	[sflag:s2] =	ssyncset.done @!p0 $0x0  }
0x8f: {  	[sflag:s2] =	ssyncadd.s32 @!p0 $0xFFFFE000;
	s2 =	sadd.s32 @!p0 $0x680, s21  }
0x90: {  	[tilespmem:s5], [sflag:$0x6] =	stream.indirect.gather @!p0 [hbm4b:s3+s23], $0x40, s2, s23, $0xb8;
	[tilespmem:$0x1C800] =	vst v63  }
.Ltmp2:
0x91: {  	_ = 	snop;
	(pc) =	sbr.rel @p0 .LBB2_4-.Ltmp2, $4  }
0x92: {  	_ =	swait.ge [sflag:s29], $0x2000  }
0x93: {  	[sflag:s29] =	ssyncset.done $0x0  }
0x94: {  	s23 =	sadd.s32 $0x6700, s20;
	s5 =	sadd.s32 $0x6780, s20;
	[sflag:s29] =	ssyncadd.s32 $0xFFFFE000  }
0x95: {  	[hbm4b:s4+s10] =	stream.indirect.scatter [tilespmem:s22], [sflag:$0xF], $0x40, s23, s10, $0xb8;
	[tilespmem:$0x1C800] =	vst v63  }
0x96: {  	_ =	swait.ge [sflag:s15], $0x2000  }
0x97: {  	[sflag:s15] =	ssyncset.done $0x0  }
0x98: {  	s2 =	sadd.s32 $0x700, s20;
	[sflag:s15] =	ssyncadd.s32 $0xFFFFE000  }
0x99: {  	[tilespmem:s22], [sflag:$0x7] =	stream.indirect.gather [hbm4b:s3+s10], $0x40, s2, s10, $0xb8;
	[tilespmem:$0x1C800] =	vst v63  }
0x9a: {  	_ =	swait.ge [sflag:s30], $0x2000  }
0x9b: {  	[sflag:s30] =	ssyncset.done $0x0  }
0x9c: {  	[sflag:s30] =	ssyncadd.s32 $0xFFFFE000  }
0x9d: {  	[hbm4b:s4+s10] =	stream.indirect.scatter [tilespmem:s24], [sflag:$0x10], $0x40, s5, s10, $0xb8;
	[tilespmem:$0x1C800] =	vst v63  }
.Ltmp3:
0x9e: {  	_ = 	snop;
	(pc) =	sbr.rel .LBB2_2-.Ltmp3, $4  }
0x9f: {  	_ =	swait.ge [sflag:s16], $0x2000  }
0xa0: {  	[sflag:s16] =	ssyncset.done $0x0  }
0xa1: {  	s23 =	sadd.s32 $0x780, s20;
	s19 =	sadd.s32 $0x1000, s19;
	[sflag:s16] =	ssyncadd.s32 $0xFFFFE000  }
0xa2: {  	[tilespmem:s24], [sflag:$0x8] =	stream.indirect.gather [hbm4b:s3+s10], $0x40, s23, s10, $0xb8;
	[tilespmem:$0x1C800] =	vst v63  }
.LBB2_5:
0xa3: {  	_ =	sfence.sel $0x180000  }
0xa4: {  	[bflag:$0x0] =	sbarrier.arrive $0xFFFF  }
0xa5: {  	_ =	strace $0x90000047  }
0xa6: {  	s0 =	stileid.u32;
	[bflag:$0x2] =	sbarrier.arrive $0xFFFF  }
0xa7: {  	p0 =	sne.s32 s0, $0x0;
	s0 =	rddreg [dreg:$0x2]  }
0xa8: {  	s0 =	sadd.s32 @!p0 $0x100000, s0  }
0xa9: {  	[sflag:s0] =	ssyncadd.tile.s32 @!p0 $0x1;
	_ =	shalt  }
.Lfunc_end2:
_tile_overlayer_lowered:
.L_overlay_start_2:
0xaa: {  	(tag) =	ssettag $0x2  }
0xab: {  	s0 =	rddreg [dreg:$0x0];
	s2 =	stileid.u32  }
0xac: {  	s1 =	rddreg [dreg:$0x1];
	p0 =	sne.s32 s2, $0x0  }
0xad: {  	s3 =	rddreg [dreg:$0x2];
	[bflag:$0x3] =	sbarrier.arrive $0xFFFF;
	s2 =	simm.s32 @!p0 $0x1C11  }
0xae: {  	[timem:s3], [sflag:s2] =	dma.local @!p0 [hbm:s0], s1  }
0xaf: {  	s0 =	simm.s32 @!p0 $0x11  }
0xb0: {  	_ =	swait.ge @!p0 [sflag:s0], s1  }
0xb1: {  	s1 =	ssub.s32 @!p0 $0x0, s1;
	[sflag:s0] =	ssyncset.done @!p0 $0x0  }
0xb2: {  	[sflag:s0] =	ssyncadd.s32 @!p0 s1  }
0xb3: {  	[bflag:$0x3] =	sbarrier.arrive $0xFFFF  }
0xb4: {  	_ =	shalt  }

// kernel: sparse-core-data-format-call.cloned.1.call-start
scs
called_computation_lowered:
.L_overlay_start_0:
0x0: {  	s2 =	sld [smem:$0x3FD9]  }
0x1: {  	s3 =	sld [smem:$0x3FFE];
	_ =	sdelay $0x1  }
0x2: {  	s1 =	srdreg.scid  }
0x3: {  	s0 =	sand.u32 $0x1, s1  }
0x4: {  	s18 =	sshll.u32 s0, $0xA;
	s2 =	sadd.s32 s3, s2  }
0x5: {  	s2 =	sadd.s32 s2, s18  }
0x6: {  	[smem:$0x3FC6] =	sst s2  }
0x7: {  	_ = 	snop  }
0x8: {  	s2 =	sld [smem:$0x3FD0];
	(tm) =	ssettm $0x1  }
0x9: {  	s19 =	sld [smem:$0x3FFB];
	_ =	sdelay $0x3  }
0xa: {  	_ =	strace s19  }
0xb: {  	s3 =	sld [smem:$0x3FFC];
	_ =	sdelay $0x3  }
0xc: {  	_ =	strace s3  }
0xd: {  	s3 =	sld [smem:$0x3FFD];
	_ =	sdelay $0x3  }
0xe: {  	_ =	strace s3  }
0xf: {  	_ =	strace $0x8FFFFFFF  }
0x10: {  	s20 =	sld [smem:$0x3FDB];
	_ =	sdelay $0x1  }
0x11: {  	s4 =	simm.s32 $_scs_section_size  }
0x12: {  	s5 =	simm.s32 $_size__tile_overlayer_lowered;
	s6 =	simm.s32 $_tile_overlayer_lowered  }
0x13: {  	s23 =	simm.s32 $0x1BFF;
	s22 =	sshll.u32 s6, $0x1;
	s3 =	sadd.s32 s4, s20  }
0x14: {  	s7 =	simm.s32 $0x0;
	s21 =	sshll.u32 s5, $0x1;
	s5 =	sadd.s32 s22, s3  }
0x15: {  	[timem:s7], [sflag:s23] =	dma.local [hbm:s5], s21  }
0x16: {  	_ =	swait.ge [sflag:s23], s21  }
0x17: {  	s4 =	ssub.s32 $0x0, s21;
	[sflag:s23] =	ssyncset.done $0x0  }
0x18: {  	[sflag:s23] =	ssyncadd.s32 s4;
	_ =	sdelay $0x1  }
0x19: {  	s24 =	simm.s32 $0x1B8B  }
0x1a: {  	_ =	swait.ge [sflag:s24], $0x1  }
0x1b: {  	[sflag:s24] =	ssyncset.done $0x0  }
0x1c: {  	s26 =	simm.s32 $0x1B8E;
	s25 =	sld [smem:$0x3FFE];
	[sflag:s24] =	ssyncadd.s32 $0xFFFFFFFF  }
0x1d: {  	s27 =	simm.s32 $execute0_lowered;
	[smem:$0x3FD2] =	sst s26  }
0x1e: {  	s5 =	sshll.u32 s27, $0x1;
	_ =	strace $0x80000049;
	[dreg:$0x1] =	wrdreg $0xFFFFFFFF  }
0x1f: {  	s28 =	simm.s32 $_size_execute0_lowered;
	s3 =	sadd.s32 s3, s5;
	[dreg:$0x0] =	wrdreg $0x0  }
0x20: {  	s5 =	sshll.u32 s28, $0x1;
	[dreg:$0x2] =	wrdreg s3  }
0x21: {  	[dreg:$0x3] =	wrdreg s5  }
0x22: {  	[dreg:$0x4] =	wrdreg $0xC0  }
0x23: {  	_ =	task [dreg:s7], $0x5FFFF  }
0x24: {  	[dreg:$0x1] =	wrdreg $0xFFFFFFFF  }
0x25: {  	[dreg:$0x0] =	wrdreg $0x60  }
0x26: {  	[dreg:$0x2] =	wrdreg s25  }
0x27: {  	[dreg:$0x3] =	wrdreg s2  }
0x28: {  	[dreg:$0x4] =	wrdreg $0x9  }
0x29: {  	_ =	task.clear_ibuf [dreg:s7], $0x5FFFF;
	_ =	strace $0x90000049  }
0x2a: {  	s29 =	simm.s32 $0x9;
	_ =	strace $0x8000004B  }
0x2b: {  	_ =	swait.ge [sflag:s29], $0x1  }
0x2c: {  	[sflag:s29] =	ssyncadd.s32 $0xFFFFFFFF  }
0x2d: {  	_ =	strace $0x9000004B  }
0x2e: {  	_ =	sfence  }
0x2f: {  	s30 =	sld [smem:$0x0];
	_ =	sdelay $0x2  }
0x30: {  	s31 =	sshll.u32 s1, $0xD;
	s1 =	sshrl.u32 s1, $0x2  }
0x31: {  	s3 =	sand.u32 $0x4000, s31;
	s1 =	sadd.s32 s1, s30  }
0x32: {  	s0 =	sor.u32 s3, s0;
	s1 =	sshll.u32 s1, $0x11  }
0x33: {  	s0 =	sor.u32 s1, s0  }
0x34: {  	s0 =	sadd.s32 $0x8F2B, s0  }
0x35: {  	[sflag:s0] =	ssyncadd.remote.s32 $0x1  }
0x36: {  	_ =	sfence.sel $0xFFFF  }
0x37: {  	[dreg:$0x0] =	wrdreg $0xFFFFFFFF;
	(pc) =	sbr.abs _section_cstart, $3  }
0x38: {  	[dreg:$0x1] =	wrdreg $0xFFFFFFFF  }
0x39: {  	_ =	task.clear_ibuf [dreg:s7], $0x2FFFF;
	_ =	strace $0x9FFFFFFF  }
0x3a: {  	(tm) =	ssettm $0x7FFFFFFF  }
0x3b: {  	_ =	shalt  }
tec
execute0_lowered:
.L_overlay_start_1:
0x0: {  	(tag) =	ssettag $0x1  }
0x1: {  	s0 =	srdreg.scid  }
0x2: {  	s1 =	sshll.u32 s0, $0x4  }
0x3: {  	s0 =	stileid.u32;
	s1 =	sand.u32 $0x10, s1  }
0x4: {  	s1 =	sor.u32 s0, s1  }
0x5: {  	s6 =	rddreg [dreg:$0x0];
	s4 =	simm.s32 $0x1;
	s2 =	sshll.u32 s1, $0x7  }
0x6: {  	s7 =	simm.s32 $0x2;
	s12 =	simm.s32 $0x0;
	s1 =	ssub.s32 $0x4000, s2  }
0x7: {  	s8 =	simm.s32 $0x20000;
	s13 =	simm.s32 $0x0;
	s3 =	sand.u32 $0xF80, s1  }
0x8: {  	s9 =	simm.s32 $0x0;
	s5 =	sshrl.u32 s1, $0xC;
	p0 =	sne.s32 s3, $0x0  }
.Ltmp0:
0x9: {  	s1 =	rddreg [dreg:$0x2];
	s4 =	simm.s32 @!p0 $0x0;
	(pc) =	sbr.rel .LBB1_1-.Ltmp0, $4  }
0xa: {  	s11 =	simm.s32 $0x0;
	s3 =	rddreg [dreg:$0x1];
	s5 =	sadd.s32 s4, s5  }
0xb: {  	_ =	strace $0x8000004A;
	s4 =	simm.s32 $0x1;
	s5 =	smul.u32 $0x32, s5  }
0xc: {  	s6 =	sadd.s32 $0x19A00, s6;
	s10 =	smov.u32 s2;
	[sflag:s4] =	ssyncpa.u1 $0x0  }
0xd: {  	p0 =	por $0x0, $0x0;
	[sflag:s7] =	ssyncpa.u1 $0x0;
	s7 =	sor.u32 $0x1, s5  }
.LBB1_4:
0xe: {  	s16 =	sshll.u32 s13, $0x3;
	s17 =	sand.u32 $0x78, s13  }
0xf: {  	s30 =	sand.u32 $0x1F800, s13;
	s12 =	sshll.u32 s12, $0x11;
	s16 =	sand.u32 $0x3C00, s16  }
0x10: {  	[tilespmem:s15+$0x810 ss:$0x81] =	vst.msk $0xffff, v2;
	s31 =	sand.u32 $0x7, s13;
	s16 =	sor.u32 s17, s16;
	s17 =	sadd.s32 s3, s30  }
0x11: {  	[tilespmem:s15+$0x1020 ss:$0x81] =	vst.msk $0xffff, v0;
	s13 =	sshll.u32 s31, $0x12;
	s12 =	sadd.s32 s12, s17;
	s16 =	sshrl.u32 s16, $0x3  }
0x12: {  	[tilespmem:s15+$0x0 ss:$0x81] =	vst.msk $0xffff, v1;
	s13 =	sor.u32 $0x400, s13;
	s12 =	sadd.s32 s16, s12  }
0x13: {  	[hbm4b:s12+s13] =	stream.strided.scatter [tilespmem:s14], [sflag:$0x2], $0x2000, s8, s13, $0x20;
	[tilespmem:$0x8080] =	vst v63  }
.LBB1_5:
0x14: {  	s14 =	sadd.s32 $0x1, s9  }
0x15: {  	s12 =	sadd.s32 $0x1000, s10;
	s16 =	smov.u32 s10;
	p2 =	sgt.s32 s14, $0x31  }
0x16: {  	s16 =	smov.u32 @p2 s12  }
0x17: {  	s14 =	simm.s32 @p2 $0x0;
	p2 =	sgt.s32 s16, $0x3FFF  }
0x18: {  	s16 =	smov.u32 @p2 s2;
	p2 =	sne.s32 s11, s7  }
.Ltmp1:
0x19: {  	p1 =	slt.u32 s11, $0x2;
	(pc) =	sbr.rel @!p2 .LBB1_6-.Ltmp1, $4  }
0x1a: {  	s15 =	simm.s32 @!p1 $0x2  }
0x1b: {  	s13 =	smov.u32 s10;
	p0 =	por !p0, !p0;
	_ =	swait.ge @!p1 [sflag:s15], $0x2000  }
0x1c: {  	s12 =	smov.u32 s9;
	[sflag:s15] =	ssyncset.done @!p1 $0x0;
	s9 =	smov.u32 s14  }
0x1d: {  	s11 =	sadd.s32 $0x1, s11;
	[sflag:s15] =	ssyncadd.s32 @!p1 $0xFFFFE000;
	s10 =	smov.u32 s16  }
.LBB1_1:
0x1e: {  	p1 =	sge.u32 s11, s5  }
0x1f: {  	s14 =	sand.u32 @!p1 $0x1FFFFFF, s9  }
0x20: {  	s15 =	smulhi.u32 @!p1 $0x4924925, s14;
	_ =	sdelay $0x1  }
0x21: {  	s15 =	smul.u32 @!p1 $0x38, s15  }
0x22: {  	s16 =	sxor.u32 @!p1 $0xFFFFFFFF, s11;
	s17 =	smul.u32 @!p1 $0x380, s10  }
0x23: {  	s31 =	sadd.s32 $0xFFFFFFFF, s11;
	s16 =	sshll.u32 @!p1 s16, $0xD;
	s14 =	ssub.s32 @!p1 s14, s15  }
0x24: {  	s15 =	sand.u32 @!p1 $0x2000, s16;
	s16 =	sadd.s32 @!p1 s6, s17;
	s14 =	sshll.u32 @!p1 s14, $0x4  }
0x25: {  	s17 =	simm.s32 @!p1 $0x1C00;
	s14 =	sadd.s32 @!p1 s14, s16;
	s16 =	simm.s32 @!p1 $0x40  }
0x26: {  	[tilespmem:s15], [sflag:$0x1] =	stream.strided.gather @!p1 [hbm4b:s14+s16], $0x2000, s17, s16, $0x38;
	[tilespmem:$0x8080] =	vst v63  }
0x27: {  	p1 =	sge.u32 s31, s5  }
.Ltmp2:
0x28: {  	_ = 	snop;
	(pc) =	sbr.rel @p1 .LBB1_5-.Ltmp2, $1  }
0x29: {  	_ =	sdelay $0x3  }
0x2a: {  	s14 =	simm.s32 $0x1  }
0x2b: {  	_ =	swait.ge [sflag:s4], $0x2000;
	s14 =	simm.s32 @!p0 $0x0  }
0x2c: {  	[sflag:s4] =	ssyncset.done $0x0;
	s15 =	sshll.u32 s14, $0xD  }
0x2d: {  	[sflag:s4] =	ssyncadd.s32 $0xFFFFE000;
	s18 =	sor.u32 $0x20, s15  }
0x2e: {  	s14 =	smul.u32 $0x8100, s14;
	v3 =	vld [tilespmem:s18+$0x10]  }
0x2f: {  	s30 =	sand.u32 $0x1, s11;
	v2 =	vld [tilespmem:s18+$0xFFFFFFF0]  }
0x30: {  	s15 =	smul.u32 $0x8100, s30;
	s14 =	sshrl.u32 s14, $0x2;
	v0 =	vld [tilespmem:s18+$0x0]  }
0x31: {  	v1 =	vld [tilespmem:s18+$0xFFFFFFE0];
	s16 =	sor.u32 $0x4000, s14  }
0x32: {  	s31 =	sshrl.u32 s15, $0x2;
	s15 =	sadd.s32 $0x0, s16  }
0x33: {  	s17 =	simm.s32 $0x4;
	s18 =	sadd.s32 $0x40, s18;
	s14 =	sor.u32 $0x4000, s31;
	[tilespmem:s15+$0x1830 ss:$0x81] =	vst.msk $0xffff, v3  }
.LBB1_3:
0x34: {  	v3 =	vld [tilespmem:s18+$0x10];
	p1 =	sne.s32 s17, $0x1FC;
	[tilespmem:s15+$0x810 ss:$0x81] =	vst.msk $0xffff, v2;
	s19 =	smov.u32 s17;
	s17 =	sadd.s32 $0x4, s17  }
.Ltmp3:
0x35: {  	v2 =	vld [tilespmem:s18+$0xFFFFFFF0];
	[tilespmem:s15+$0x1020 ss:$0x81] =	vst.msk $0xffff, v0;
	(pc) =	sbr.rel @p1 .LBB1_3-.Ltmp3, $4  }
0x36: {  	v0 =	vld [tilespmem:s18+$0x0];
	[tilespmem:s15+$0x0 ss:$0x81] =	vst.msk $0xffff, v1  }
0x37: {  	s15 =	sshra.s32 s19, $0x2;
	v1 =	vld [tilespmem:s18+$0xFFFFFFE0]  }
0x38: {  	s15 =	sadd.s32 s15, s16  }
0x39: {  	s18 =	sadd.s32 $0x40, s18;
	[tilespmem:s15+$0x1830 ss:$0x81] =	vst.msk $0xffff, v3  }
.Ltmp4:
0x3a: {  	_ = 	snop;
	(pc) =	sbr.rel .LBB1_4-.Ltmp4, $1  }
0x3b: {  	_ =	sdelay $0x3  }
.LBB1_6:
0x3c: {  	_ =	sfence.sel $0x180000  }
0x3d: {  	s2 =	simm.s32 $0x1;
	[bflag:$0x0] =	sbarrier.arrive $0xFFFF  }
0x3e: {  	s31 =	simm.s32 $0x2;
	[sflag:s2] =	ssyncpa.u1 $0x1  }
0x3f: {  	[sflag:s31] =	ssyncpa.u1 $0x1  }
0x40: {  	p0 =	sne.s32 s0, $0x0;
	_ =	strace $0x9000004A  }
0x41: {  	s0 =	sadd.s32 @!p0 $0x100000, s1;
	[bflag:$0x2] =	sbarrier.arrive $0xFFFF  }
0x42: {  	[sflag:s0] =	ssyncadd.tile.s32 @!p0 $0x1;
	_ =	shalt  }
.Lfunc_end1:
_tile_overlayer_lowered:
.L_overlay_start_2:
0x43: {  	(tag) =	ssettag $0x2  }
0x44: {  	s0 =	rddreg [dreg:$0x0];
	s2 =	stileid.u32  }
0x45: {  	s1 =	rddreg [dreg:$0x1];
	p0 =	sne.s32 s2, $0x0  }
0x46: {  	s3 =	rddreg [dreg:$0x2];
	[bflag:$0x3] =	sbarrier.arrive $0xFFFF;
	s2 =	simm.s32 @!p0 $0x1C01  }
0x47: {  	[timem:s3], [sflag:s2] =	dma.local @!p0 [hbm:s0], s1  }
0x48: {  	s0 =	simm.s32 @!p0 $0x1  }
0x49: {  	_ =	swait.ge @!p0 [sflag:s0], s1  }
0x4a: {  	s1 =	ssub.s32 @!p0 $0x0, s1;
	[sflag:s0] =	ssyncset.done @!p0 $0x0  }
0x4b: {  	[sflag:s0] =	ssyncadd.s32 @!p0 s1  }
0x4c: {  	[bflag:$0x3] =	sbarrier.arrive $0xFFFF  }
0x4d: {  	_ =	shalt  }

</sc_bundles>
